<compile_context>
chip_gen: v7x
topology: tpu7x:2x2x1
jax: 0.10.2.dev20260603
libtpu: 0.0.44.dev20260713+nightly
codegen_flags: <defaults>
</compile_context>

<pallas_src>
import dataclasses
import functools

import jax
import jax.numpy as jnp
from jax import lax
from jax.experimental import pallas as pl
from jax.experimental.pallas import tpu as pltpu
from jax.experimental.pallas import tpu_sc as plsc

NC = 2
NS = 16
LANES = 16
NW = NC * NS

_MESH = plsc.VectorSubcoreMesh(core_axis_name="c", subcore_axis_name="s")

_CP = pltpu.CompilerParams()
if "needs_layout_passes" in pltpu.CompilerParams.__dataclass_fields__:
    _CP = dataclasses.replace(_CP, needs_layout_passes=False)


_ZR = 128


def _pad_rows(n_nodes):
    return -(-n_nodes // (_ZR * NS)) * _ZR * NS


def _deg_partials(dst, n_nodes):
    (n_edges,) = dst.shape
    epw = n_edges // NW
    k = 80
    nchunk = epw // k
    n_pad = _pad_rows(n_nodes)

    @functools.partial(
        pl.kernel,
        out_type=jax.ShapeDtypeStruct((NW, n_pad), jnp.float32),
        mesh=_MESH,
        compiler_params=_CP,
        scratch_types=[
            pltpu.VMEM((k,), jnp.int32),
            pltpu.VMEM((n_pad,), jnp.float32),
        ],
    )
    def deg_kernel(dst_hbm, out_hbm, idx_v, acc_v):
        cid = lax.axis_index("c")
        sid = lax.axis_index("s")
        wid = cid * NS + sid
        base = wid * epw

        @pl.loop(0, n_pad // LANES)
        def _(r):
            acc_v[pl.ds(r * LANES, LANES)] = jnp.zeros((LANES,), jnp.float32)

        ones = jnp.full((LANES,), 1.0, jnp.float32)

        @pl.loop(0, nchunk)
        def _(j):
            pltpu.sync_copy(dst_hbm.at[pl.ds(base + j * k, k)], idx_v)

            @pl.loop(0, k // LANES)
            def _(i):
                plsc.addupdate_scatter(
                    acc_v, [idx_v[pl.ds(i * LANES, LANES)]], ones)

        pltpu.sync_copy(acc_v, out_hbm.at[wid])

    return deg_kernel(dst)


def _agg_partials(y, src, dst):
    n_nodes, width = y.shape
    (n_edges,) = src.shape
    epw = n_edges // NW
    k = 80
    nchunk = epw // k
    n_pad = _pad_rows(n_nodes)
    rpt = n_pad // NS
    zr = _ZR
    nz = rpt // zr

    @functools.partial(
        pl.kernel,
        out_type=jax.ShapeDtypeStruct((NC, n_pad, width), jnp.float32),
        mesh=_MESH,
        scratch_types=[
            pltpu.VMEM((2, k), jnp.int32),
            pltpu.VMEM((2, k), jnp.int32),
            pltpu.VMEM((k, width), jnp.float32),
            pltpu.VMEM((k, width), jnp.float32),
            pltpu.VMEM((zr, width), jnp.float32),
            pltpu.VMEM_SHARED((n_pad, width), jnp.float32),
            pltpu.SemaphoreType.DMA,
            pltpu.SemaphoreType.DMA,
        ],
    )
    def agg_kernel(y_hbm, src_hbm, dst_hbm, out_hbm,
                   si_v, di_v, rows0_v, rows1_v, stage_v, acc_sh, sem0, sem1):
        cid = lax.axis_index("c")
        sid = lax.axis_index("s")
        base = (cid * NS + sid) * epw

        @pl.loop(0, zr)
        def _(r):
            @pl.loop(0, width // LANES)
            def _(q):
                stage_v[r, pl.ds(q * LANES, LANES)] = jnp.zeros(
                    (LANES,), jnp.float32)

        @pl.loop(0, nz)
        def _(t):
            pltpu.sync_copy(stage_v, acc_sh.at[pl.ds(sid * rpt + t * zr, zr)])

        plsc.subcore_barrier()

        pltpu.sync_copy(src_hbm.at[pl.ds(base, k)], si_v.at[0])
        pltpu.sync_copy(dst_hbm.at[pl.ds(base, k)], di_v.at[0])
        pltpu.async_copy(y_hbm.at[si_v.at[0]], rows0_v, sem0)

        @pl.loop(0, (nchunk - 1) // 2)
        def _(jj):
            a = 2 * jj + 1
            pltpu.sync_copy(src_hbm.at[pl.ds(base + a * k, k)], si_v.at[1])
            pltpu.sync_copy(dst_hbm.at[pl.ds(base + a * k, k)], di_v.at[1])
            pltpu.async_copy(y_hbm.at[si_v.at[1]], rows1_v, sem1)

            pltpu.make_async_copy(y_hbm.at[si_v.at[0]], rows0_v, sem0).wait()
            pltpu.sync_copy(rows0_v, acc_sh.at[di_v.at[0]], add=True)

            b = 2 * jj + 2
            pltpu.sync_copy(src_hbm.at[pl.ds(base + b * k, k)], si_v.at[0])
            pltpu.sync_copy(dst_hbm.at[pl.ds(base + b * k, k)], di_v.at[0])
            pltpu.async_copy(y_hbm.at[si_v.at[0]], rows0_v, sem0)

            pltpu.make_async_copy(y_hbm.at[si_v.at[1]], rows1_v, sem1).wait()
            pltpu.sync_copy(rows1_v, acc_sh.at[di_v.at[1]], add=True)

        pltpu.make_async_copy(y_hbm.at[si_v.at[0]], rows0_v, sem0).wait()
        pltpu.sync_copy(rows0_v, acc_sh.at[di_v.at[0]], add=True)

        plsc.subcore_barrier()

        @pl.loop(0, nz)
        def _(t):
            pltpu.sync_copy(acc_sh.at[pl.ds(sid * rpt + t * zr, zr)], stage_v)
            pltpu.sync_copy(
                stage_v, out_hbm.at[cid, pl.ds(sid * rpt + t * zr, zr)])

    return agg_kernel(y, src, dst)


_BR = 1000


def _dis_block(dp_ref):
    ones = jnp.ones((NW, 1), jnp.float32)
    deg = jnp.dot(dp_ref[...], ones, preferred_element_type=jnp.float32) + 1.0
    return lax.rsqrt(deg)


def _stage1(x, w1, degp):
    n, d = x.shape
    hid = w1.shape[1]

    def body(x_ref, w_ref, dp_ref, y_ref):
        dis = _dis_block(dp_ref)
        xw = jnp.dot(x_ref[...], w_ref[...], preferred_element_type=jnp.float32)
        y_ref[...] = dis * xw

    return pl.pallas_call(
        body,
        grid=(n // _BR,),
        in_specs=[
            pl.BlockSpec((_BR, d), lambda i: (i, 0)),
            pl.BlockSpec((d, hid), lambda i: (0, 0)),
            pl.BlockSpec((_BR, NW), lambda i: (i, 0)),
        ],
        out_specs=pl.BlockSpec((_BR, hid), lambda i: (i, 0)),
        out_shape=jax.ShapeDtypeStruct((n, hid), jnp.float32),
    )(x, w1, degp)


def _stage2(zp, y, degp, w2, b1):
    n, hid = y.shape
    hid2 = w2.shape[1]

    def body(zp_ref, y_ref, dp_ref, w_ref, b_ref, out_ref):
        dis = _dis_block(dp_ref)
        agg = zp_ref[0] + zp_ref[1] + y_ref[...]
        h = jnp.maximum(dis * agg + b_ref[...], 0.0)
        out_ref[...] = dis * jnp.dot(h, w_ref[...],
                                     preferred_element_type=jnp.float32)

    return pl.pallas_call(
        body,
        grid=(n // _BR,),
        in_specs=[
            pl.BlockSpec((NC, _BR, hid), lambda i: (0, i, 0)),
            pl.BlockSpec((_BR, hid), lambda i: (i, 0)),
            pl.BlockSpec((_BR, NW), lambda i: (i, 0)),
            pl.BlockSpec((hid, hid2), lambda i: (0, 0)),
            pl.BlockSpec((1, hid), lambda i: (0, 0)),
        ],
        out_specs=pl.BlockSpec((_BR, hid2), lambda i: (i, 0)),
        out_shape=jax.ShapeDtypeStruct((n, hid2), jnp.float32),
    )(zp, y, degp, w2, b1)


def _stage3(zp, y, degp, wl, b2, bl):
    n, hid = y.shape
    out_dim = wl.shape[1]

    def body(zp_ref, y_ref, dp_ref, w_ref, b2_ref, bl_ref, out_ref):
        dis = _dis_block(dp_ref)
        agg = zp_ref[0] + zp_ref[1] + y_ref[...]
        h = jnp.maximum(dis * agg + b2_ref[...], 0.0)
        out_ref[...] = jnp.dot(h, w_ref[...],
                               preferred_element_type=jnp.float32) + bl_ref[...]

    return pl.pallas_call(
        body,
        grid=(n // _BR,),
        in_specs=[
            pl.BlockSpec((NC, _BR, hid), lambda i: (0, i, 0)),
            pl.BlockSpec((_BR, hid), lambda i: (i, 0)),
            pl.BlockSpec((_BR, NW), lambda i: (i, 0)),
            pl.BlockSpec((hid, out_dim), lambda i: (0, 0)),
            pl.BlockSpec((1, hid), lambda i: (0, 0)),
            pl.BlockSpec((1, out_dim), lambda i: (0, 0)),
        ],
        out_specs=pl.BlockSpec((_BR, out_dim), lambda i: (i, 0)),
        out_shape=jax.ShapeDtypeStruct((n, out_dim), jnp.float32),
    )(zp, y, degp, wl, b2, bl)


def kernel(x, edge_index, W1, b1, W2, b2, Wl, bl):
    src = edge_index[0]
    dst = edge_index[1]
    n = x.shape[0]

    degp = jnp.swapaxes(_deg_partials(dst, n), 0, 1)[:n]
    y1 = _stage1(x, W1, degp)
    z1 = _agg_partials(y1, src, dst)[:, :n]
    y2 = _stage2(z1, y1, degp, W2, b1.reshape(1, -1))
    z2 = _agg_partials(y2, src, dst)[:, :n]
    return _stage3(z2, y2, degp, Wl, b2.reshape(1, -1), bl.reshape(1, -1))

# --- scband reference (transcript-rebuilt; emitter-appended) ---
"""Pipeline reference for scband-gcn-74491912782367 (READ-ONLY COPY).

The authoritative reference and input builder live on the scoring server;
editing this copy changes nothing except your own understanding.
"""

import jax, jax.numpy as jnp
import numpy as np

N = 10000
E = 320000
IN_DIM = 128
HID = 128
OUT = 2


def setup_inputs(seed: int = 0) -> dict:
    key = jax.random.key(seed)
    ks = jax.random.split(key, 8)
    x = jax.random.normal(ks[0], (N, IN_DIM), dtype=jnp.float32)
    edge_index = jax.random.randint(ks[1], (2, E), 0, N, dtype=jnp.int32)
    W1 = jax.random.normal(ks[2], (IN_DIM, HID), dtype=jnp.float32) * (1.0 / np.sqrt(IN_DIM))
    b1 = jnp.zeros((HID,), dtype=jnp.float32)
    W2 = jax.random.normal(ks[3], (HID, HID), dtype=jnp.float32) * (1.0 / np.sqrt(HID))
    b2 = jnp.zeros((HID,), dtype=jnp.float32)
    Wl = jax.random.normal(ks[4], (HID, OUT), dtype=jnp.float32) * (1.0 / np.sqrt(HID))
    bl = jnp.zeros((OUT,), dtype=jnp.float32)
    return {"x": x, "edge_index": edge_index, "W1": W1, "b1": b1, "W2": W2, "b2": b2, "Wl": Wl, "bl": bl}


def gcn_conv(x, edge_index, W, b):
    src = edge_index[0]
    dst = edge_index[1]
    loop = jnp.arange(N, dtype=src.dtype)
    src = jnp.concatenate([src, loop])
    dst = jnp.concatenate([dst, loop])
    deg = jnp.zeros((N,), dtype=x.dtype).at[dst].add(1.0)
    dis = jnp.where(deg > 0, jax.lax.rsqrt(jnp.maximum(deg, 1e-12)), 0.0)
    norm = dis[src] * dis[dst]
    xw = x @ W
    msg = xw[src] * norm[:, None]
    out = jnp.zeros((N, W.shape[1]), dtype=x.dtype).at[dst].add(msg)
    return out + b


def reference(x, edge_index, W1, b1, W2, b2, Wl, bl):
    h = jax.nn.relu(gcn_conv(x, edge_index, W1, b1))
    # dropout is identity in eval mode
    h = jax.nn.relu(gcn_conv(h, edge_index, W2, b2))
    return h @ Wl + bl

if __name__ == "__main__":
    import jax
    _d = setup_inputs()
    print(jax.jit(kernel)(*tuple(_d.values())))

</pallas_src>

<mosaic_0001>
#map = affine_map<(d0, d1) -> (0, 0)>
#map1 = affine_map<(d0, d1) -> (0)>
#map2 = affine_map<(d0, d1) -> (0, 0, 0)>
module attributes {stable_mosaic.version = 14 : i64} {
  func.func @agg_kernel(%arg0: i32, %arg1: i32, %arg2: memref<10000x128xf32, #tpu.memory_space<hbm>>, %arg3: memref<320000xi32, #tpu.memory_space<hbm>>, %arg4: memref<320000xi32, #tpu.memory_space<hbm>>, %arg5: memref<2x10240x128xf32, #tpu.memory_space<hbm>>, %arg6: memref<2x80xi32, #tpu.memory_space<vmem>>, %arg7: memref<2x80xi32, #tpu.memory_space<vmem>>, %arg8: memref<80x128xf32, #tpu.memory_space<vmem>>, %arg9: memref<80x128xf32, #tpu.memory_space<vmem>>, %arg10: memref<128x128xf32, #tpu.memory_space<vmem>>, %arg11: memref<10240x128xf32, #tpu.memory_space<vmem_shared>>, %arg12: memref<!tpu.dma_semaphore, #tpu.memory_space<semaphore_mem>>, %arg13: memref<!tpu.dma_semaphore, #tpu.memory_space<semaphore_mem>>) attributes {dimension_semantics = [#tpu.dimension_semantics<core_parallel>, #tpu.dimension_semantics<subcore_parallel>], iteration_bounds = array<i64: 2, 16>, scalar_prefetch = 0 : i64, scratch_operands = 8 : i64, tpu.core_type = #tpu.core_type<sc_vector_subcore>, window_params = [{transform_indices = #map}, {transform_indices = #map1}, {transform_indices = #map1}, {transform_indices = #map2}]} {
    %mul3A = arith.constant 16 : i32
    %mul3A_0 = arith.muli %arg0, %mul3A : i32
    %add3A = arith.addi %mul3A_0, %arg1 : i32
    %mul3A_1 = arith.constant 10000 : i32
    %mul3A_2 = arith.muli %add3A, %mul3A_1 : i32
    %scan3A = arith.constant 0 : i32
    %scan3A_3 = arith.constant 128 : i32
    %scan3A_4 = arith.addi %scan3A, %scan3A_3 : i32
    %scan3A_5 = arith.constant 1 : i32
    scf.for %scan3A_37 = %scan3A to %scan3A_4 step %scan3A_5  : i32 {
      %mul3A_38 = arith.constant 1 : i32
      %mul3A_39 = arith.muli %scan3A_37, %mul3A_38 : i32
      %add3A_40 = arith.constant 0 : i32
      %add3A_41 = arith.addi %add3A_40, %mul3A_39 : i32
      %scan3A_42 = arith.constant 0 : i32
      %scan3A_43 = arith.constant 8 : i32
      %scan3A_44 = arith.addi %scan3A_42, %scan3A_43 : i32
      %scan3A_45 = arith.constant 1 : i32
      scf.for %scan3A_47 = %scan3A_42 to %scan3A_44 step %scan3A_45  : i32 {
        %mul3A_48 = arith.constant 1 : i32
        %mul3A_49 = arith.muli %scan3A_47, %mul3A_48 : i32
        %add3A_50 = arith.constant 0 : i32
        %add3A_51 = arith.addi %add3A_50, %mul3A_49 : i32
        %broadcast_in_dim3A = arith.constant 0.000000e+00 : f32
        %broadcast_in_dim3A_52 = vector.broadcast %broadcast_in_dim3A : f32 to vector<16xf32>
        %mul3A_53 = arith.constant 16 : i32
        %mul3A_54 = arith.muli %add3A_51, %mul3A_53 : i32
        %swap3A = arith.index_cast %add3A_41 : i32 to index
        %swap3A_55 = arith.index_cast %mul3A_54 : i32 to index
        %swap3A_56 = tpu.vector_load %arg10[%swap3A, %swap3A_55] {strides = array<i32>} : memref<128x128xf32, #tpu.memory_space<vmem>>, vector<1x16xf32>,
        %swap3A_57 = vector.shape_cast %swap3A_56 : vector<1x16xf32> to vector<16xf32>
        %swap3A_58 = vector.shape_cast %broadcast_in_dim3A_52 : vector<16xf32> to vector<1x16xf32>
        tpu.vector_store %arg10[%swap3A, %swap3A_55], %swap3A_58 {strides = array<i32>} : memref<128x128xf32, #tpu.memory_space<vmem>>, vector<1x16xf32>,
      }
      %scan3A_46 = arith.constant 8 : i32
    }
    %scan3A_6 = arith.constant 128 : i32
    %scan3A_7 = arith.constant 0 : i32
    %scan3A_8 = arith.constant 5 : i32
    %scan3A_9 = arith.addi %scan3A_7, %scan3A_8 : i32
    %scan3A_10 = arith.constant 1 : i32
    scf.for %scan3A_37 = %scan3A_7 to %scan3A_9 step %scan3A_10  : i32 {
      %mul3A_38 = arith.constant 1 : i32
      %mul3A_39 = arith.muli %scan3A_37, %mul3A_38 : i32
      %add3A_40 = arith.constant 0 : i32
      %add3A_41 = arith.addi %add3A_40, %mul3A_39 : i32
      %mul3A_42 = arith.constant 640 : i32
      %mul3A_43 = arith.muli %arg1, %mul3A_42 : i32
      %mul3A_44 = arith.constant 128 : i32
      %mul3A_45 = arith.muli %add3A_41, %mul3A_44 : i32
      %add3A_46 = arith.addi %mul3A_43, %mul3A_45 : i32
      "tpu.region"() ({
        %run_scoped3A_47 = tpu.sem_alloc : memref<!tpu.dma_semaphore, #tpu.memory_space<semaphore_mem>>
        %dma_start3A_48 = arith.constant 0 : i32
        %dma_start3A_49 = tpu.memref_slice %arg11[%add3A_46, %dma_start3A_48] : memref<10240x128xf32, #tpu.memory_space<vmem_shared>> -> memref<128x128xf32, #tpu.memory_space<vmem_shared>>
        %dma_start3A_50 = arith.constant 0 : i32
        %dma_start3A_51 = tpu.memref_slice %arg11[%add3A_46, %dma_start3A_50] : memref<10240x128xf32, #tpu.memory_space<vmem_shared>> -> memref<128x128xf32, #tpu.memory_space<vmem_shared>>
        tpu.enqueue_dma source(%arg10 : memref<128x128xf32, #tpu.memory_space<vmem>>) target(%dma_start3A_51 : memref<128x128xf32, #tpu.memory_space<vmem_shared>>) target_semaphore(%run_scoped3A_47 : memref<!tpu.dma_semaphore, #tpu.memory_space<semaphore_mem>>)
        %dma_wait3A_52 = arith.constant 0 : i32
        %dma_wait3A_53 = tpu.memref_slice %arg11[%add3A_46, %dma_wait3A_52] : memref<10240x128xf32, #tpu.memory_space<vmem_shared>> -> memref<128x128xf32, #tpu.memory_space<vmem_shared>>
        %dma_wait3A_54 = arith.constant 0 : i32
        %dma_wait3A_55 = tpu.memref_slice %arg11[%add3A_46, %dma_wait3A_54] : memref<10240x128xf32, #tpu.memory_space<vmem_shared>> -> memref<128x128xf32, #tpu.memory_space<vmem_shared>>
        tpu.wait_dma2 semaphore(%run_scoped3A_47 : memref<!tpu.dma_semaphore, #tpu.memory_space<semaphore_mem>>) src(%arg10 : memref<128x128xf32, #tpu.memory_space<vmem>>) dst(%dma_wait3A_55 : memref<128x128xf32, #tpu.memory_space<vmem_shared>>)
        tpu.yield
      }) : () -> ()
    }
    %scan3A_11 = arith.constant 5 : i32
    %barrier3A = arith.constant 0 : index
    tpu.barrier barrier_id(%barrier3A)
    %run_scoped3A = arith.constant 0 : i32
    "tpu.region"() ({
      %run_scoped3A_37 = tpu.sem_alloc : memref<!tpu.dma_semaphore, #tpu.memory_space<semaphore_mem>>
      %dma_start3A_38 = arith.constant 0 : i32
      %dma_start3A_39 = tpu.memref_slice %arg6[%run_scoped3A, %dma_start3A_38] : memref<2x80xi32, #tpu.memory_space<vmem>> -> memref<1x80xi32, #tpu.memory_space<vmem>>
      %dma_start3A_40 = tpu.memref_squeeze %dma_start3A_39 : memref<1x80xi32, #tpu.memory_space<vmem>> -> memref<80xi32, #tpu.memory_space<vmem>>
      %dma_start3A_41 = tpu.memref_slice %arg3[%mul3A_2] : memref<320000xi32, #tpu.memory_space<hbm>> -> memref<80xi32, #tpu.memory_space<hbm>>
      %dma_start3A_42 = arith.constant 0 : i32
      %dma_start3A_43 = tpu.memref_slice %arg6[%run_scoped3A, %dma_start3A_42] : memref<2x80xi32, #tpu.memory_space<vmem>> -> memref<1x80xi32, #tpu.memory_space<vmem>>
      %dma_start3A_44 = tpu.memref_squeeze %dma_start3A_43 : memref<1x80xi32, #tpu.memory_space<vmem>> -> memref<80xi32, #tpu.memory_space<vmem>>
      %dma_start3A_45 = tpu.memref_slice %arg3[%mul3A_2] : memref<320000xi32, #tpu.memory_space<hbm>> -> memref<80xi32, #tpu.memory_space<hbm>>
      tpu.enqueue_dma source(%dma_start3A_45 : memref<80xi32, #tpu.memory_space<hbm>>) target(%dma_start3A_44 : memref<80xi32, #tpu.memory_space<vmem>>) target_semaphore(%run_scoped3A_37 : memref<!tpu.dma_semaphore, #tpu.memory_space<semaphore_mem>>)
      %dma_wait3A_46 = arith.constant 0 : i32
      %dma_wait3A_47 = tpu.memref_slice %arg6[%run_scoped3A, %dma_wait3A_46] : memref<2x80xi32, #tpu.memory_space<vmem>> -> memref<1x80xi32, #tpu.memory_space<vmem>>
      %dma_wait3A_48 = tpu.memref_squeeze %dma_wait3A_47 : memref<1x80xi32, #tpu.memory_space<vmem>> -> memref<80xi32, #tpu.memory_space<vmem>>
      %dma_wait3A_49 = tpu.memref_slice %arg3[%mul3A_2] : memref<320000xi32, #tpu.memory_space<hbm>> -> memref<80xi32, #tpu.memory_space<hbm>>
      %dma_wait3A_50 = arith.constant 0 : i32
      %dma_wait3A_51 = tpu.memref_slice %arg6[%run_scoped3A, %dma_wait3A_50] : memref<2x80xi32, #tpu.memory_space<vmem>> -> memref<1x80xi32, #tpu.memory_space<vmem>>
      %dma_wait3A_52 = tpu.memref_squeeze %dma_wait3A_51 : memref<1x80xi32, #tpu.memory_space<vmem>> -> memref<80xi32, #tpu.memory_space<vmem>>
      %dma_wait3A_53 = tpu.memref_slice %arg3[%mul3A_2] : memref<320000xi32, #tpu.memory_space<hbm>> -> memref<80xi32, #tpu.memory_space<hbm>>
      tpu.wait_dma2 semaphore(%run_scoped3A_37 : memref<!tpu.dma_semaphore, #tpu.memory_space<semaphore_mem>>) src(%dma_wait3A_53 : memref<80xi32, #tpu.memory_space<hbm>>) dst(%dma_wait3A_52 : memref<80xi32, #tpu.memory_space<vmem>>)
      tpu.yield
    }) : () -> ()
    %run_scoped3A_12 = arith.constant 0 : i32
    "tpu.region"() ({
      %run_scoped3A_37 = tpu.sem_alloc : memref<!tpu.dma_semaphore, #tpu.memory_space<semaphore_mem>>
      %dma_start3A_38 = arith.constant 0 : i32
      %dma_start3A_39 = tpu.memref_slice %arg7[%run_scoped3A_12, %dma_start3A_38] : memref<2x80xi32, #tpu.memory_space<vmem>> -> memref<1x80xi32, #tpu.memory_space<vmem>>
      %dma_start3A_40 = tpu.memref_squeeze %dma_start3A_39 : memref<1x80xi32, #tpu.memory_space<vmem>> -> memref<80xi32, #tpu.memory_space<vmem>>
      %dma_start3A_41 = tpu.memref_slice %arg4[%mul3A_2] : memref<320000xi32, #tpu.memory_space<hbm>> -> memref<80xi32, #tpu.memory_space<hbm>>
      %dma_start3A_42 = arith.constant 0 : i32
      %dma_start3A_43 = tpu.memref_slice %arg7[%run_scoped3A_12, %dma_start3A_42] : memref<2x80xi32, #tpu.memory_space<vmem>> -> memref<1x80xi32, #tpu.memory_space<vmem>>
      %dma_start3A_44 = tpu.memref_squeeze %dma_start3A_43 : memref<1x80xi32, #tpu.memory_space<vmem>> -> memref<80xi32, #tpu.memory_space<vmem>>
      %dma_start3A_45 = tpu.memref_slice %arg4[%mul3A_2] : memref<320000xi32, #tpu.memory_space<hbm>> -> memref<80xi32, #tpu.memory_space<hbm>>
      tpu.enqueue_dma source(%dma_start3A_45 : memref<80xi32, #tpu.memory_space<hbm>>) target(%dma_start3A_44 : memref<80xi32, #tpu.memory_space<vmem>>) target_semaphore(%run_scoped3A_37 : memref<!tpu.dma_semaphore, #tpu.memory_space<semaphore_mem>>)
      %dma_wait3A_46 = arith.constant 0 : i32
      %dma_wait3A_47 = tpu.memref_slice %arg7[%run_scoped3A_12, %dma_wait3A_46] : memref<2x80xi32, #tpu.memory_space<vmem>> -> memref<1x80xi32, #tpu.memory_space<vmem>>
      %dma_wait3A_48 = tpu.memref_squeeze %dma_wait3A_47 : memref<1x80xi32, #tpu.memory_space<vmem>> -> memref<80xi32, #tpu.memory_space<vmem>>
      %dma_wait3A_49 = tpu.memref_slice %arg4[%mul3A_2] : memref<320000xi32, #tpu.memory_space<hbm>> -> memref<80xi32, #tpu.memory_space<hbm>>
      %dma_wait3A_50 = arith.constant 0 : i32
      %dma_wait3A_51 = tpu.memref_slice %arg7[%run_scoped3A_12, %dma_wait3A_50] : memref<2x80xi32, #tpu.memory_space<vmem>> -> memref<1x80xi32, #tpu.memory_space<vmem>>
      %dma_wait3A_52 = tpu.memref_squeeze %dma_wait3A_51 : memref<1x80xi32, #tpu.memory_space<vmem>> -> memref<80xi32, #tpu.memory_space<vmem>>
      %dma_wait3A_53 = tpu.memref_slice %arg4[%mul3A_2] : memref<320000xi32, #tpu.memory_space<hbm>> -> memref<80xi32, #tpu.memory_space<hbm>>
      tpu.wait_dma2 semaphore(%run_scoped3A_37 : memref<!tpu.dma_semaphore, #tpu.memory_space<semaphore_mem>>) src(%dma_wait3A_53 : memref<80xi32, #tpu.memory_space<hbm>>) dst(%dma_wait3A_52 : memref<80xi32, #tpu.memory_space<vmem>>)
      tpu.yield
    }) : () -> ()
    %dma_start3A = arith.constant 0 : i32
    %dma_start3A_13 = arith.constant 0 : i32
    %dma_start3A_14 = tpu.memref_slice %arg6[%dma_start3A, %dma_start3A_13] : memref<2x80xi32, #tpu.memory_space<vmem>> -> memref<1x80xi32, #tpu.memory_space<vmem>>
    %dma_start3A_15 = tpu.memref_squeeze %dma_start3A_14 : memref<1x80xi32, #tpu.memory_space<vmem>> -> memref<80xi32, #tpu.memory_space<vmem>>
    %dma_start3A_16 = arith.constant 0 : i32
    %dma_start3A_17 = arith.constant 0 : i32
    %dma_start3A_18 = tpu.memref_slice %arg2[%dma_start3A_16, %dma_start3A_17] : memref<10000x128xf32, #tpu.memory_space<hbm>> -> memref<10000x128xf32, #tpu.memory_space<hbm>>
    tpu.enqueue_indirect_dma source(%dma_start3A_18 : memref<10000x128xf32, #tpu.memory_space<hbm>>) target(%arg8 : memref<80x128xf32, #tpu.memory_space<vmem>>) offsets(%dma_start3A_15 : memref<80xi32, #tpu.memory_space<vmem>>) semaphore(%arg12 : memref<!tpu.dma_semaphore, #tpu.memory_space<semaphore_mem>>)
    %scan3A_19 = arith.constant 0 : i32
    %scan3A_20 = arith.constant 62 : i32
    %scan3A_21 = arith.addi %scan3A_19, %scan3A_20 : i32
    %scan3A_22 = arith.constant 1 : i32
    scf.for %scan3A_37 = %scan3A_19 to %scan3A_21 step %scan3A_22  : i32 {
      %mul3A_38 = arith.constant 1 : i32
      %mul3A_39 = arith.muli %scan3A_37, %mul3A_38 : i32
      %add3A_40 = arith.constant 0 : i32
      %add3A_41 = arith.addi %add3A_40, %mul3A_39 : i32
      %mul3A_42 = arith.constant 2 : i32
      %mul3A_43 = arith.muli %mul3A_42, %add3A_41 : i32
      %add3A_44 = arith.constant 1 : i32
      %add3A_45 = arith.addi %mul3A_43, %add3A_44 : i32
      %mul3A_46 = arith.constant 80 : i32
      %mul3A_47 = arith.muli %add3A_45, %mul3A_46 : i32
      %add3A_48 = arith.addi %mul3A_2, %mul3A_47 : i32
      %run_scoped3A_49 = arith.constant 1 : i32
      "tpu.region"() ({
        %run_scoped3A_96 = tpu.sem_alloc : memref<!tpu.dma_semaphore, #tpu.memory_space<semaphore_mem>>
        %dma_start3A_97 = arith.constant 0 : i32
        %dma_start3A_98 = tpu.memref_slice %arg6[%run_scoped3A_49, %dma_start3A_97] : memref<2x80xi32, #tpu.memory_space<vmem>> -> memref<1x80xi32, #tpu.memory_space<vmem>>
        %dma_start3A_99 = tpu.memref_squeeze %dma_start3A_98 : memref<1x80xi32, #tpu.memory_space<vmem>> -> memref<80xi32, #tpu.memory_space<vmem>>
        %dma_start3A_100 = tpu.memref_slice %arg3[%add3A_48] : memref<320000xi32, #tpu.memory_space<hbm>> -> memref<80xi32, #tpu.memory_space<hbm>>
        %dma_start3A_101 = arith.constant 0 : i32
        %dma_start3A_102 = tpu.memref_slice %arg6[%run_scoped3A_49, %dma_start3A_101] : memref<2x80xi32, #tpu.memory_space<vmem>> -> memref<1x80xi32, #tpu.memory_space<vmem>>
        %dma_start3A_103 = tpu.memref_squeeze %dma_start3A_102 : memref<1x80xi32, #tpu.memory_space<vmem>> -> memref<80xi32, #tpu.memory_space<vmem>>
        %dma_start3A_104 = tpu.memref_slice %arg3[%add3A_48] : memref<320000xi32, #tpu.memory_space<hbm>> -> memref<80xi32, #tpu.memory_space<hbm>>
        tpu.enqueue_dma source(%dma_start3A_104 : memref<80xi32, #tpu.memory_space<hbm>>) target(%dma_start3A_103 : memref<80xi32, #tpu.memory_space<vmem>>) target_semaphore(%run_scoped3A_96 : memref<!tpu.dma_semaphore, #tpu.memory_space<semaphore_mem>>)
        %dma_wait3A_105 = arith.constant 0 : i32
        %dma_wait3A_106 = tpu.memref_slice %arg6[%run_scoped3A_49, %dma_wait3A_105] : memref<2x80xi32, #tpu.memory_space<vmem>> -> memref<1x80xi32, #tpu.memory_space<vmem>>
        %dma_wait3A_107 = tpu.memref_squeeze %dma_wait3A_106 : memref<1x80xi32, #tpu.memory_space<vmem>> -> memref<80xi32, #tpu.memory_space<vmem>>
        %dma_wait3A_108 = tpu.memref_slice %arg3[%add3A_48] : memref<320000xi32, #tpu.memory_space<hbm>> -> memref<80xi32, #tpu.memory_space<hbm>>
        %dma_wait3A_109 = arith.constant 0 : i32
        %dma_wait3A_110 = tpu.memref_slice %arg6[%run_scoped3A_49, %dma_wait3A_109] : memref<2x80xi32, #tpu.memory_space<vmem>> -> memref<1x80xi32, #tpu.memory_space<vmem>>
        %dma_wait3A_111 = tpu.memref_squeeze %dma_wait3A_110 : memref<1x80xi32, #tpu.memory_space<vmem>> -> memref<80xi32, #tpu.memory_space<vmem>>
        %dma_wait3A_112 = tpu.memref_slice %arg3[%add3A_48] : memref<320000xi32, #tpu.memory_space<hbm>> -> memref<80xi32, #tpu.memory_space<hbm>>
        tpu.wait_dma2 semaphore(%run_scoped3A_96 : memref<!tpu.dma_semaphore, #tpu.memory_space<semaphore_mem>>) src(%dma_wait3A_112 : memref<80xi32, #tpu.memory_space<hbm>>) dst(%dma_wait3A_111 : memref<80xi32, #tpu.memory_space<vmem>>)
        tpu.yield
      }) : () -> ()
      %mul3A_50 = arith.constant 80 : i32
      %mul3A_51 = arith.muli %add3A_45, %mul3A_50 : i32
      %add3A_52 = arith.addi %mul3A_2, %mul3A_51 : i32
      %run_scoped3A_53 = arith.constant 1 : i32
      "tpu.region"() ({
        %run_scoped3A_96 = tpu.sem_alloc : memref<!tpu.dma_semaphore, #tpu.memory_space<semaphore_mem>>
        %dma_start3A_97 = arith.constant 0 : i32
        %dma_start3A_98 = tpu.memref_slice %arg7[%run_scoped3A_53, %dma_start3A_97] : memref<2x80xi32, #tpu.memory_space<vmem>> -> memref<1x80xi32, #tpu.memory_space<vmem>>
        %dma_start3A_99 = tpu.memref_squeeze %dma_start3A_98 : memref<1x80xi32, #tpu.memory_space<vmem>> -> memref<80xi32, #tpu.memory_space<vmem>>
        %dma_start3A_100 = tpu.memref_slice %arg4[%add3A_52] : memref<320000xi32, #tpu.memory_space<hbm>> -> memref<80xi32, #tpu.memory_space<hbm>>
        %dma_start3A_101 = arith.constant 0 : i32
        %dma_start3A_102 = tpu.memref_slice %arg7[%run_scoped3A_53, %dma_start3A_101] : memref<2x80xi32, #tpu.memory_space<vmem>> -> memref<1x80xi32, #tpu.memory_space<vmem>>
        %dma_start3A_103 = tpu.memref_squeeze %dma_start3A_102 : memref<1x80xi32, #tpu.memory_space<vmem>> -> memref<80xi32, #tpu.memory_space<vmem>>
        %dma_start3A_104 = tpu.memref_slice %arg4[%add3A_52] : memref<320000xi32, #tpu.memory_space<hbm>> -> memref<80xi32, #tpu.memory_space<hbm>>
        tpu.enqueue_dma source(%dma_start3A_104 : memref<80xi32, #tpu.memory_space<hbm>>) target(%dma_start3A_103 : memref<80xi32, #tpu.memory_space<vmem>>) target_semaphore(%run_scoped3A_96 : memref<!tpu.dma_semaphore, #tpu.memory_space<semaphore_mem>>)
        %dma_wait3A_105 = arith.constant 0 : i32
        %dma_wait3A_106 = tpu.memref_slice %arg7[%run_scoped3A_53, %dma_wait3A_105] : memref<2x80xi32, #tpu.memory_space<vmem>> -> memref<1x80xi32, #tpu.memory_space<vmem>>
        %dma_wait3A_107 = tpu.memref_squeeze %dma_wait3A_106 : memref<1x80xi32, #tpu.memory_space<vmem>> -> memref<80xi32, #tpu.memory_space<vmem>>
        %dma_wait3A_108 = tpu.memref_slice %arg4[%add3A_52] : memref<320000xi32, #tpu.memory_space<hbm>> -> memref<80xi32, #tpu.memory_space<hbm>>
        %dma_wait3A_109 = arith.constant 0 : i32
        %dma_wait3A_110 = tpu.memref_slice %arg7[%run_scoped3A_53, %dma_wait3A_109] : memref<2x80xi32, #tpu.memory_space<vmem>> -> memref<1x80xi32, #tpu.memory_space<vmem>>
        %dma_wait3A_111 = tpu.memref_squeeze %dma_wait3A_110 : memref<1x80xi32, #tpu.memory_space<vmem>> -> memref<80xi32, #tpu.memory_space<vmem>>
        %dma_wait3A_112 = tpu.memref_slice %arg4[%add3A_52] : memref<320000xi32, #tpu.memory_space<hbm>> -> memref<80xi32, #tpu.memory_space<hbm>>
        tpu.wait_dma2 semaphore(%run_scoped3A_96 : memref<!tpu.dma_semaphore, #tpu.memory_space<semaphore_mem>>) src(%dma_wait3A_112 : memref<80xi32, #tpu.memory_space<hbm>>) dst(%dma_wait3A_111 : memref<80xi32, #tpu.memory_space<vmem>>)
        tpu.yield
      }) : () -> ()
      %dma_start3A_54 = arith.constant 1 : i32
      %dma_start3A_55 = arith.constant 0 : i32
      %dma_start3A_56 = tpu.memref_slice %arg6[%dma_start3A_54, %dma_start3A_55] : memref<2x80xi32, #tpu.memory_space<vmem>> -> memref<1x80xi32, #tpu.memory_space<vmem>>
      %dma_start3A_57 = tpu.memref_squeeze %dma_start3A_56 : memref<1x80xi32, #tpu.memory_space<vmem>> -> memref<80xi32, #tpu.memory_space<vmem>>
      %dma_start3A_58 = arith.constant 0 : i32
      %dma_start3A_59 = arith.constant 0 : i32
      %dma_start3A_60 = tpu.memref_slice %arg2[%dma_start3A_58, %dma_start3A_59] : memref<10000x128xf32, #tpu.memory_space<hbm>> -> memref<10000x128xf32, #tpu.memory_space<hbm>>
      tpu.enqueue_indirect_dma source(%dma_start3A_60 : memref<10000x128xf32, #tpu.memory_space<hbm>>) target(%arg9 : memref<80x128xf32, #tpu.memory_space<vmem>>) offsets(%dma_start3A_57 : memref<80xi32, #tpu.memory_space<vmem>>) semaphore(%arg13 : memref<!tpu.dma_semaphore, #tpu.memory_space<semaphore_mem>>)
      %dma_wait3A_61 = arith.constant 0 : i32
      %dma_wait3A_62 = arith.constant 0 : i32
      %dma_wait3A_63 = tpu.memref_slice %arg6[%dma_wait3A_61, %dma_wait3A_62] : memref<2x80xi32, #tpu.memory_space<vmem>> -> memref<1x80xi32, #tpu.memory_space<vmem>>
      %dma_wait3A_64 = tpu.memref_squeeze %dma_wait3A_63 : memref<1x80xi32, #tpu.memory_space<vmem>> -> memref<80xi32, #tpu.memory_space<vmem>>
      %dma_wait3A_65 = arith.constant 0 : i32
      %dma_wait3A_66 = arith.constant 0 : i32
      %dma_wait3A_67 = tpu.memref_slice %arg2[%dma_wait3A_65, %dma_wait3A_66] : memref<10000x128xf32, #tpu.memory_space<hbm>> -> memref<10000x128xf32, #tpu.memory_space<hbm>>
      tpu.wait_indirect_dma semaphore(%arg12 : memref<!tpu.dma_semaphore, #tpu.memory_space<semaphore_mem>>) src(%dma_wait3A_67 : memref<10000x128xf32, #tpu.memory_space<hbm>>) dst(%arg8 : memref<80x128xf32, #tpu.memory_space<vmem>>)
      %run_scoped3A_68 = arith.constant 0 : i32
      "tpu.region"() ({
        %run_scoped3A_96 = tpu.sem_alloc : memref<!tpu.dma_semaphore, #tpu.memory_space<semaphore_mem>>
        %dma_start3A_97 = arith.constant 0 : i32
        %dma_start3A_98 = tpu.memref_slice %arg7[%run_scoped3A_68, %dma_start3A_97] : memref<2x80xi32, #tpu.memory_space<vmem>> -> memref<1x80xi32, #tpu.memory_space<vmem>>
        %dma_start3A_99 = tpu.memref_squeeze %dma_start3A_98 : memref<1x80xi32, #tpu.memory_space<vmem>> -> memref<80xi32, #tpu.memory_space<vmem>>
        %dma_start3A_100 = arith.constant 0 : i32
        %dma_start3A_101 = arith.constant 0 : i32
        %dma_start3A_102 = tpu.memref_slice %arg11[%dma_start3A_100, %dma_start3A_101] : memref<10240x128xf32, #tpu.memory_space<vmem_shared>> -> memref<10240x128xf32, #tpu.memory_space<vmem_shared>>
        tpu.enqueue_indirect_dma source(%arg8 : memref<80x128xf32, #tpu.memory_space<vmem>>) target(%dma_start3A_102 : memref<10240x128xf32, #tpu.memory_space<vmem_shared>>) offsets(%dma_start3A_99 : memref<80xi32, #tpu.memory_space<vmem>>) semaphore(%run_scoped3A_96 : memref<!tpu.dma_semaphore, #tpu.memory_space<semaphore_mem>>) {add = true}
        %dma_wait3A_103 = arith.constant 0 : i32
        %dma_wait3A_104 = tpu.memref_slice %arg7[%run_scoped3A_68, %dma_wait3A_103] : memref<2x80xi32, #tpu.memory_space<vmem>> -> memref<1x80xi32, #tpu.memory_space<vmem>>
        %dma_wait3A_105 = tpu.memref_squeeze %dma_wait3A_104 : memref<1x80xi32, #tpu.memory_space<vmem>> -> memref<80xi32, #tpu.memory_space<vmem>>
        %dma_wait3A_106 = arith.constant 0 : i32
        %dma_wait3A_107 = arith.constant 0 : i32
        %dma_wait3A_108 = tpu.memref_slice %arg11[%dma_wait3A_106, %dma_wait3A_107] : memref<10240x128xf32, #tpu.memory_space<vmem_shared>> -> memref<10240x128xf32, #tpu.memory_space<vmem_shared>>
        tpu.wait_indirect_dma semaphore(%run_scoped3A_96 : memref<!tpu.dma_semaphore, #tpu.memory_space<semaphore_mem>>) src(%arg8 : memref<80x128xf32, #tpu.memory_space<vmem>>) dst(%dma_wait3A_108 : memref<10240x128xf32, #tpu.memory_space<vmem_shared>>)
        tpu.yield
      }) : () -> ()
      %mul3A_69 = arith.constant 2 : i32
      %mul3A_70 = arith.muli %mul3A_69, %add3A_41 : i32
      %add3A_71 = arith.constant 2 : i32
      %add3A_72 = arith.addi %mul3A_70, %add3A_71 : i32
      %mul3A_73 = arith.constant 80 : i32
      %mul3A_74 = arith.muli %add3A_72, %mul3A_73 : i32
      %add3A_75 = arith.addi %mul3A_2, %mul3A_74 : i32
      %run_scoped3A_76 = arith.constant 0 : i32
      "tpu.region"() ({
        %run_scoped3A_96 = tpu.sem_alloc : memref<!tpu.dma_semaphore, #tpu.memory_space<semaphore_mem>>
        %dma_start3A_97 = arith.constant 0 : i32
        %dma_start3A_98 = tpu.memref_slice %arg6[%run_scoped3A_76, %dma_start3A_97] : memref<2x80xi32, #tpu.memory_space<vmem>> -> memref<1x80xi32, #tpu.memory_space<vmem>>
        %dma_start3A_99 = tpu.memref_squeeze %dma_start3A_98 : memref<1x80xi32, #tpu.memory_space<vmem>> -> memref<80xi32, #tpu.memory_space<vmem>>
        %dma_start3A_100 = tpu.memref_slice %arg3[%add3A_75] : memref<320000xi32, #tpu.memory_space<hbm>> -> memref<80xi32, #tpu.memory_space<hbm>>
        %dma_start3A_101 = arith.constant 0 : i32
        %dma_start3A_102 = tpu.memref_slice %arg6[%run_scoped3A_76, %dma_start3A_101] : memref<2x80xi32, #tpu.memory_space<vmem>> -> memref<1x80xi32, #tpu.memory_space<vmem>>
        %dma_start3A_103 = tpu.memref_squeeze %dma_start3A_102 : memref<1x80xi32, #tpu.memory_space<vmem>> -> memref<80xi32, #tpu.memory_space<vmem>>
        %dma_start3A_104 = tpu.memref_slice %arg3[%add3A_75] : memref<320000xi32, #tpu.memory_space<hbm>> -> memref<80xi32, #tpu.memory_space<hbm>>
        tpu.enqueue_dma source(%dma_start3A_104 : memref<80xi32, #tpu.memory_space<hbm>>) target(%dma_start3A_103 : memref<80xi32, #tpu.memory_space<vmem>>) target_semaphore(%run_scoped3A_96 : memref<!tpu.dma_semaphore, #tpu.memory_space<semaphore_mem>>)
        %dma_wait3A_105 = arith.constant 0 : i32
        %dma_wait3A_106 = tpu.memref_slice %arg6[%run_scoped3A_76, %dma_wait3A_105] : memref<2x80xi32, #tpu.memory_space<vmem>> -> memref<1x80xi32, #tpu.memory_space<vmem>>
        %dma_wait3A_107 = tpu.memref_squeeze %dma_wait3A_106 : memref<1x80xi32, #tpu.memory_space<vmem>> -> memref<80xi32, #tpu.memory_space<vmem>>
        %dma_wait3A_108 = tpu.memref_slice %arg3[%add3A_75] : memref<320000xi32, #tpu.memory_space<hbm>> -> memref<80xi32, #tpu.memory_space<hbm>>
        %dma_wait3A_109 = arith.constant 0 : i32
        %dma_wait3A_110 = tpu.memref_slice %arg6[%run_scoped3A_76, %dma_wait3A_109] : memref<2x80xi32, #tpu.memory_space<vmem>> -> memref<1x80xi32, #tpu.memory_space<vmem>>
        %dma_wait3A_111 = tpu.memref_squeeze %dma_wait3A_110 : memref<1x80xi32, #tpu.memory_space<vmem>> -> memref<80xi32, #tpu.memory_space<vmem>>
        %dma_wait3A_112 = tpu.memref_slice %arg3[%add3A_75] : memref<320000xi32, #tpu.memory_space<hbm>> -> memref<80xi32, #tpu.memory_space<hbm>>
        tpu.wait_dma2 semaphore(%run_scoped3A_96 : memref<!tpu.dma_semaphore, #tpu.memory_space<semaphore_mem>>) src(%dma_wait3A_112 : memref<80xi32, #tpu.memory_space<hbm>>) dst(%dma_wait3A_111 : memref<80xi32, #tpu.memory_space<vmem>>)
        tpu.yield
      }) : () -> ()
      %mul3A_77 = arith.constant 80 : i32
      %mul3A_78 = arith.muli %add3A_72, %mul3A_77 : i32
      %add3A_79 = arith.addi %mul3A_2, %mul3A_78 : i32
      %run_scoped3A_80 = arith.constant 0 : i32
      "tpu.region"() ({
        %run_scoped3A_96 = tpu.sem_alloc : memref<!tpu.dma_semaphore, #tpu.memory_space<semaphore_mem>>
        %dma_start3A_97 = arith.constant 0 : i32
        %dma_start3A_98 = tpu.memref_slice %arg7[%run_scoped3A_80, %dma_start3A_97] : memref<2x80xi32, #tpu.memory_space<vmem>> -> memref<1x80xi32, #tpu.memory_space<vmem>>
        %dma_start3A_99 = tpu.memref_squeeze %dma_start3A_98 : memref<1x80xi32, #tpu.memory_space<vmem>> -> memref<80xi32, #tpu.memory_space<vmem>>
        %dma_start3A_100 = tpu.memref_slice %arg4[%add3A_79] : memref<320000xi32, #tpu.memory_space<hbm>> -> memref<80xi32, #tpu.memory_space<hbm>>
        %dma_start3A_101 = arith.constant 0 : i32
        %dma_start3A_102 = tpu.memref_slice %arg7[%run_scoped3A_80, %dma_start3A_101] : memref<2x80xi32, #tpu.memory_space<vmem>> -> memref<1x80xi32, #tpu.memory_space<vmem>>
        %dma_start3A_103 = tpu.memref_squeeze %dma_start3A_102 : memref<1x80xi32, #tpu.memory_space<vmem>> -> memref<80xi32, #tpu.memory_space<vmem>>
        %dma_start3A_104 = tpu.memref_slice %arg4[%add3A_79] : memref<320000xi32, #tpu.memory_space<hbm>> -> memref<80xi32, #tpu.memory_space<hbm>>
        tpu.enqueue_dma source(%dma_start3A_104 : memref<80xi32, #tpu.memory_space<hbm>>) target(%dma_start3A_103 : memref<80xi32, #tpu.memory_space<vmem>>) target_semaphore(%run_scoped3A_96 : memref<!tpu.dma_semaphore, #tpu.memory_space<semaphore_mem>>)
        %dma_wait3A_105 = arith.constant 0 : i32
        %dma_wait3A_106 = tpu.memref_slice %arg7[%run_scoped3A_80, %dma_wait3A_105] : memref<2x80xi32, #tpu.memory_space<vmem>> -> memref<1x80xi32, #tpu.memory_space<vmem>>
        %dma_wait3A_107 = tpu.memref_squeeze %dma_wait3A_106 : memref<1x80xi32, #tpu.memory_space<vmem>> -> memref<80xi32, #tpu.memory_space<vmem>>
        %dma_wait3A_108 = tpu.memref_slice %arg4[%add3A_79] : memref<320000xi32, #tpu.memory_space<hbm>> -> memref<80xi32, #tpu.memory_space<hbm>>
        %dma_wait3A_109 = arith.constant 0 : i32
        %dma_wait3A_110 = tpu.memref_slice %arg7[%run_scoped3A_80, %dma_wait3A_109] : memref<2x80xi32, #tpu.memory_space<vmem>> -> memref<1x80xi32, #tpu.memory_space<vmem>>
        %dma_wait3A_111 = tpu.memref_squeeze %dma_wait3A_110 : memref<1x80xi32, #tpu.memory_space<vmem>> -> memref<80xi32, #tpu.memory_space<vmem>>
        %dma_wait3A_112 = tpu.memref_slice %arg4[%add3A_79] : memref<320000xi32, #tpu.memory_space<hbm>> -> memref<80xi32, #tpu.memory_space<hbm>>
        tpu.wait_dma2 semaphore(%run_scoped3A_96 : memref<!tpu.dma_semaphore, #tpu.memory_space<semaphore_mem>>) src(%dma_wait3A_112 : memref<80xi32, #tpu.memory_space<hbm>>) dst(%dma_wait3A_111 : memref<80xi32, #tpu.memory_space<vmem>>)
        tpu.yield
      }) : () -> ()
      %dma_start3A_81 = arith.constant 0 : i32
      %dma_start3A_82 = arith.constant 0 : i32
      %dma_start3A_83 = tpu.memref_slice %arg6[%dma_start3A_81, %dma_start3A_82] : memref<2x80xi32, #tpu.memory_space<vmem>> -> memref<1x80xi32, #tpu.memory_space<vmem>>
      %dma_start3A_84 = tpu.memref_squeeze %dma_start3A_83 : memref<1x80xi32, #tpu.memory_space<vmem>> -> memref<80xi32, #tpu.memory_space<vmem>>
      %dma_start3A_85 = arith.constant 0 : i32
      %dma_start3A_86 = arith.constant 0 : i32
      %dma_start3A_87 = tpu.memref_slice %arg2[%dma_start3A_85, %dma_start3A_86] : memref<10000x128xf32, #tpu.memory_space<hbm>> -> memref<10000x128xf32, #tpu.memory_space<hbm>>
      tpu.enqueue_indirect_dma source(%dma_start3A_87 : memref<10000x128xf32, #tpu.memory_space<hbm>>) target(%arg8 : memref<80x128xf32, #tpu.memory_space<vmem>>) offsets(%dma_start3A_84 : memref<80xi32, #tpu.memory_space<vmem>>) semaphore(%arg12 : memref<!tpu.dma_semaphore, #tpu.memory_space<semaphore_mem>>)
      %dma_wait3A_88 = arith.constant 1 : i32
      %dma_wait3A_89 = arith.constant 0 : i32
      %dma_wait3A_90 = tpu.memref_slice %arg6[%dma_wait3A_88, %dma_wait3A_89] : memref<2x80xi32, #tpu.memory_space<vmem>> -> memref<1x80xi32, #tpu.memory_space<vmem>>
      %dma_wait3A_91 = tpu.memref_squeeze %dma_wait3A_90 : memref<1x80xi32, #tpu.memory_space<vmem>> -> memref<80xi32, #tpu.memory_space<vmem>>
      %dma_wait3A_92 = arith.constant 0 : i32
      %dma_wait3A_93 = arith.constant 0 : i32
      %dma_wait3A_94 = tpu.memref_slice %arg2[%dma_wait3A_92, %dma_wait3A_93] : memref<10000x128xf32, #tpu.memory_space<hbm>> -> memref<10000x128xf32, #tpu.memory_space<hbm>>
      tpu.wait_indirect_dma semaphore(%arg13 : memref<!tpu.dma_semaphore, #tpu.memory_space<semaphore_mem>>) src(%dma_wait3A_94 : memref<10000x128xf32, #tpu.memory_space<hbm>>) dst(%arg9 : memref<80x128xf32, #tpu.memory_space<vmem>>)
      %run_scoped3A_95 = arith.constant 1 : i32
      "tpu.region"() ({
        %run_scoped3A_96 = tpu.sem_alloc : memref<!tpu.dma_semaphore, #tpu.memory_space<semaphore_mem>>
        %dma_start3A_97 = arith.constant 0 : i32
        %dma_start3A_98 = tpu.memref_slice %arg7[%run_scoped3A_95, %dma_start3A_97] : memref<2x80xi32, #tpu.memory_space<vmem>> -> memref<1x80xi32, #tpu.memory_space<vmem>>
        %dma_start3A_99 = tpu.memref_squeeze %dma_start3A_98 : memref<1x80xi32, #tpu.memory_space<vmem>> -> memref<80xi32, #tpu.memory_space<vmem>>
        %dma_start3A_100 = arith.constant 0 : i32
        %dma_start3A_101 = arith.constant 0 : i32
        %dma_start3A_102 = tpu.memref_slice %arg11[%dma_start3A_100, %dma_start3A_101] : memref<10240x128xf32, #tpu.memory_space<vmem_shared>> -> memref<10240x128xf32, #tpu.memory_space<vmem_shared>>
        tpu.enqueue_indirect_dma source(%arg9 : memref<80x128xf32, #tpu.memory_space<vmem>>) target(%dma_start3A_102 : memref<10240x128xf32, #tpu.memory_space<vmem_shared>>) offsets(%dma_start3A_99 : memref<80xi32, #tpu.memory_space<vmem>>) semaphore(%run_scoped3A_96 : memref<!tpu.dma_semaphore, #tpu.memory_space<semaphore_mem>>) {add = true}
        %dma_wait3A_103 = arith.constant 0 : i32
        %dma_wait3A_104 = tpu.memref_slice %arg7[%run_scoped3A_95, %dma_wait3A_103] : memref<2x80xi32, #tpu.memory_space<vmem>> -> memref<1x80xi32, #tpu.memory_space<vmem>>
        %dma_wait3A_105 = tpu.memref_squeeze %dma_wait3A_104 : memref<1x80xi32, #tpu.memory_space<vmem>> -> memref<80xi32, #tpu.memory_space<vmem>>
        %dma_wait3A_106 = arith.constant 0 : i32
        %dma_wait3A_107 = arith.constant 0 : i32
        %dma_wait3A_108 = tpu.memref_slice %arg11[%dma_wait3A_106, %dma_wait3A_107] : memref<10240x128xf32, #tpu.memory_space<vmem_shared>> -> memref<10240x128xf32, #tpu.memory_space<vmem_shared>>
        tpu.wait_indirect_dma semaphore(%run_scoped3A_96 : memref<!tpu.dma_semaphore, #tpu.memory_space<semaphore_mem>>) src(%arg9 : memref<80x128xf32, #tpu.memory_space<vmem>>) dst(%dma_wait3A_108 : memref<10240x128xf32, #tpu.memory_space<vmem_shared>>)
        tpu.yield
      }) : () -> ()
    }
    %scan3A_23 = arith.constant 62 : i32
    %dma_wait3A = arith.constant 0 : i32
    %dma_wait3A_24 = arith.constant 0 : i32
    %dma_wait3A_25 = tpu.memref_slice %arg6[%dma_wait3A, %dma_wait3A_24] : memref<2x80xi32, #tpu.memory_space<vmem>> -> memref<1x80xi32, #tpu.memory_space<vmem>>
    %dma_wait3A_26 = tpu.memref_squeeze %dma_wait3A_25 : memref<1x80xi32, #tpu.memory_space<vmem>> -> memref<80xi32, #tpu.memory_space<vmem>>
    %dma_wait3A_27 = arith.constant 0 : i32
    %dma_wait3A_28 = arith.constant 0 : i32
    %dma_wait3A_29 = tpu.memref_slice %arg2[%dma_wait3A_27, %dma_wait3A_28] : memref<10000x128xf32, #tpu.memory_space<hbm>> -> memref<10000x128xf32, #tpu.memory_space<hbm>>
    tpu.wait_indirect_dma semaphore(%arg12 : memref<!tpu.dma_semaphore, #tpu.memory_space<semaphore_mem>>) src(%dma_wait3A_29 : memref<10000x128xf32, #tpu.memory_space<hbm>>) dst(%arg8 : memref<80x128xf32, #tpu.memory_space<vmem>>)
    %run_scoped3A_30 = arith.constant 0 : i32
    "tpu.region"() ({
      %run_scoped3A_37 = tpu.sem_alloc : memref<!tpu.dma_semaphore, #tpu.memory_space<semaphore_mem>>
      %dma_start3A_38 = arith.constant 0 : i32
      %dma_start3A_39 = tpu.memref_slice %arg7[%run_scoped3A_30, %dma_start3A_38] : memref<2x80xi32, #tpu.memory_space<vmem>> -> memref<1x80xi32, #tpu.memory_space<vmem>>
      %dma_start3A_40 = tpu.memref_squeeze %dma_start3A_39 : memref<1x80xi32, #tpu.memory_space<vmem>> -> memref<80xi32, #tpu.memory_space<vmem>>
      %dma_start3A_41 = arith.constant 0 : i32
      %dma_start3A_42 = arith.constant 0 : i32
      %dma_start3A_43 = tpu.memref_slice %arg11[%dma_start3A_41, %dma_start3A_42] : memref<10240x128xf32, #tpu.memory_space<vmem_shared>> -> memref<10240x128xf32, #tpu.memory_space<vmem_shared>>
      tpu.enqueue_indirect_dma source(%arg8 : memref<80x128xf32, #tpu.memory_space<vmem>>) target(%dma_start3A_43 : memref<10240x128xf32, #tpu.memory_space<vmem_shared>>) offsets(%dma_start3A_40 : memref<80xi32, #tpu.memory_space<vmem>>) semaphore(%run_scoped3A_37 : memref<!tpu.dma_semaphore, #tpu.memory_space<semaphore_mem>>) {add = true}
      %dma_wait3A_44 = arith.constant 0 : i32
      %dma_wait3A_45 = tpu.memref_slice %arg7[%run_scoped3A_30, %dma_wait3A_44] : memref<2x80xi32, #tpu.memory_space<vmem>> -> memref<1x80xi32, #tpu.memory_space<vmem>>
      %dma_wait3A_46 = tpu.memref_squeeze %dma_wait3A_45 : memref<1x80xi32, #tpu.memory_space<vmem>> -> memref<80xi32, #tpu.memory_space<vmem>>
      %dma_wait3A_47 = arith.constant 0 : i32
      %dma_wait3A_48 = arith.constant 0 : i32
      %dma_wait3A_49 = tpu.memref_slice %arg11[%dma_wait3A_47, %dma_wait3A_48] : memref<10240x128xf32, #tpu.memory_space<vmem_shared>> -> memref<10240x128xf32, #tpu.memory_space<vmem_shared>>
      tpu.wait_indirect_dma semaphore(%run_scoped3A_37 : memref<!tpu.dma_semaphore, #tpu.memory_space<semaphore_mem>>) src(%arg8 : memref<80x128xf32, #tpu.memory_space<vmem>>) dst(%dma_wait3A_49 : memref<10240x128xf32, #tpu.memory_space<vmem_shared>>)
      tpu.yield
    }) : () -> ()
    %barrier3A_31 = arith.constant 0 : index
    tpu.barrier barrier_id(%barrier3A_31)
    %scan3A_32 = arith.constant 0 : i32
    %scan3A_33 = arith.constant 5 : i32
    %scan3A_34 = arith.addi %scan3A_32, %scan3A_33 : i32
    %scan3A_35 = arith.constant 1 : i32
    scf.for %scan3A_37 = %scan3A_32 to %scan3A_34 step %scan3A_35  : i32 {
      %mul3A_38 = arith.constant 1 : i32
      %mul3A_39 = arith.muli %scan3A_37, %mul3A_38 : i32
      %add3A_40 = arith.constant 0 : i32
      %add3A_41 = arith.addi %add3A_40, %mul3A_39 : i32
      %mul3A_42 = arith.constant 640 : i32
      %mul3A_43 = arith.muli %arg1, %mul3A_42 : i32
      %mul3A_44 = arith.constant 128 : i32
      %mul3A_45 = arith.muli %add3A_41, %mul3A_44 : i32
      %add3A_46 = arith.addi %mul3A_43, %mul3A_45 : i32
      "tpu.region"() ({
        %run_scoped3A_52 = tpu.sem_alloc : memref<!tpu.dma_semaphore, #tpu.memory_space<semaphore_mem>>
        %dma_start3A_53 = arith.constant 0 : i32
        %dma_start3A_54 = tpu.memref_slice %arg11[%add3A_46, %dma_start3A_53] : memref<10240x128xf32, #tpu.memory_space<vmem_shared>> -> memref<128x128xf32, #tpu.memory_space<vmem_shared>>
        %dma_start3A_55 = arith.constant 0 : i32
        %dma_start3A_56 = tpu.memref_slice %arg11[%add3A_46, %dma_start3A_55] : memref<10240x128xf32, #tpu.memory_space<vmem_shared>> -> memref<128x128xf32, #tpu.memory_space<vmem_shared>>
        tpu.enqueue_dma source(%dma_start3A_56 : memref<128x128xf32, #tpu.memory_space<vmem_shared>>) target(%arg10 : memref<128x128xf32, #tpu.memory_space<vmem>>) target_semaphore(%run_scoped3A_52 : memref<!tpu.dma_semaphore, #tpu.memory_space<semaphore_mem>>)
        %dma_wait3A_57 = arith.constant 0 : i32
        %dma_wait3A_58 = tpu.memref_slice %arg11[%add3A_46, %dma_wait3A_57] : memref<10240x128xf32, #tpu.memory_space<vmem_shared>> -> memref<128x128xf32, #tpu.memory_space<vmem_shared>>
        %dma_wait3A_59 = arith.constant 0 : i32
        %dma_wait3A_60 = tpu.memref_slice %arg11[%add3A_46, %dma_wait3A_59] : memref<10240x128xf32, #tpu.memory_space<vmem_shared>> -> memref<128x128xf32, #tpu.memory_space<vmem_shared>>
        tpu.wait_dma2 semaphore(%run_scoped3A_52 : memref<!tpu.dma_semaphore, #tpu.memory_space<semaphore_mem>>) src(%dma_wait3A_60 : memref<128x128xf32, #tpu.memory_space<vmem_shared>>) dst(%arg10 : memref<128x128xf32, #tpu.memory_space<vmem>>)
        tpu.yield
      }) : () -> ()
      %mul3A_47 = arith.constant 640 : i32
      %mul3A_48 = arith.muli %arg1, %mul3A_47 : i32
      %mul3A_49 = arith.constant 128 : i32
      %mul3A_50 = arith.muli %add3A_41, %mul3A_49 : i32
      %add3A_51 = arith.addi %mul3A_48, %mul3A_50 : i32
      "tpu.region"() ({
        %run_scoped3A_52 = tpu.sem_alloc : memref<!tpu.dma_semaphore, #tpu.memory_space<semaphore_mem>>
        %dma_start3A_53 = arith.constant 0 : i32
        %dma_start3A_54 = tpu.memref_slice %arg5[%arg0, %add3A_51, %dma_start3A_53] : memref<2x10240x128xf32, #tpu.memory_space<hbm>> -> memref<1x128x128xf32, #tpu.memory_space<hbm>>
        %dma_start3A_55 = tpu.memref_squeeze %dma_start3A_54 : memref<1x128x128xf32, #tpu.memory_space<hbm>> -> memref<128x128xf32, #tpu.memory_space<hbm>>
        %dma_start3A_56 = arith.constant 0 : i32
        %dma_start3A_57 = tpu.memref_slice %arg5[%arg0, %add3A_51, %dma_start3A_56] : memref<2x10240x128xf32, #tpu.memory_space<hbm>> -> memref<1x128x128xf32, #tpu.memory_space<hbm>>
        %dma_start3A_58 = tpu.memref_squeeze %dma_start3A_57 : memref<1x128x128xf32, #tpu.memory_space<hbm>> -> memref<128x128xf32, #tpu.memory_space<hbm>>
        tpu.enqueue_dma source(%arg10 : memref<128x128xf32, #tpu.memory_space<vmem>>) target(%dma_start3A_58 : memref<128x128xf32, #tpu.memory_space<hbm>>) target_semaphore(%run_scoped3A_52 : memref<!tpu.dma_semaphore, #tpu.memory_space<semaphore_mem>>)
        %dma_wait3A_59 = arith.constant 0 : i32
        %dma_wait3A_60 = tpu.memref_slice %arg5[%arg0, %add3A_51, %dma_wait3A_59] : memref<2x10240x128xf32, #tpu.memory_space<hbm>> -> memref<1x128x128xf32, #tpu.memory_space<hbm>>
        %dma_wait3A_61 = tpu.memref_squeeze %dma_wait3A_60 : memref<1x128x128xf32, #tpu.memory_space<hbm>> -> memref<128x128xf32, #tpu.memory_space<hbm>>
        %dma_wait3A_62 = arith.constant 0 : i32
        %dma_wait3A_63 = tpu.memref_slice %arg5[%arg0, %add3A_51, %dma_wait3A_62] : memref<2x10240x128xf32, #tpu.memory_space<hbm>> -> memref<1x128x128xf32, #tpu.memory_space<hbm>>
        %dma_wait3A_64 = tpu.memref_squeeze %dma_wait3A_63 : memref<1x128x128xf32, #tpu.memory_space<hbm>> -> memref<128x128xf32, #tpu.memory_space<hbm>>
        tpu.wait_dma2 semaphore(%run_scoped3A_52 : memref<!tpu.dma_semaphore, #tpu.memory_space<semaphore_mem>>) src(%arg10 : memref<128x128xf32, #tpu.memory_space<vmem>>) dst(%dma_wait3A_64 : memref<128x128xf32, #tpu.memory_space<hbm>>)
        tpu.yield
      }) : () -> ()
    }
    %scan3A_36 = arith.constant 5 : i32
    return
  }
}

#map = affine_map<(d0, d1) -> (0)>
#map1 = affine_map<(d0, d1) -> (0, 0)>
module attributes {stable_mosaic.version = 14 : i64} {
  func.func @deg_kernel(%arg0: i32, %arg1: i32, %arg2: memref<320000xi32, #tpu.memory_space<hbm>>, %arg3: memref<32x10240xf32, #tpu.memory_space<hbm>>, %arg4: memref<80xi32, #tpu.memory_space<vmem>>, %arg5: memref<10240xf32, #tpu.memory_space<vmem>>) attributes {dimension_semantics = [#tpu.dimension_semantics<core_parallel>, #tpu.dimension_semantics<subcore_parallel>], iteration_bounds = array<i64: 2, 16>, scalar_prefetch = 0 : i64, scratch_operands = 2 : i64, tpu.core_type = #tpu.core_type<sc_vector_subcore>, window_params = [{transform_indices = #map}, {transform_indices = #map1}]} {
    %mul3A = arith.constant 16 : i32
    %mul3A_0 = arith.muli %arg0, %mul3A : i32
    %add3A = arith.addi %mul3A_0, %arg1 : i32
    %mul3A_1 = arith.constant 10000 : i32
    %mul3A_2 = arith.muli %add3A, %mul3A_1 : i32
    %scan3A = arith.constant 0 : i32
    %scan3A_3 = arith.constant 640 : i32
    %scan3A_4 = arith.addi %scan3A, %scan3A_3 : i32
    %scan3A_5 = arith.constant 1 : i32
    scf.for %scan3A_13 = %scan3A to %scan3A_4 step %scan3A_5  : i32 {
      %mul3A_14 = arith.constant 1 : i32
      %mul3A_15 = arith.muli %scan3A_13, %mul3A_14 : i32
      %add3A_16 = arith.constant 0 : i32
      %add3A_17 = arith.addi %add3A_16, %mul3A_15 : i32
      %broadcast_in_dim3A_18 = arith.constant 0.000000e+00 : f32
      %broadcast_in_dim3A_19 = vector.broadcast %broadcast_in_dim3A_18 : f32 to vector<16xf32>
      %mul3A_20 = arith.constant 16 : i32
      %mul3A_21 = arith.muli %add3A_17, %mul3A_20 : i32
      %swap3A = arith.index_cast %mul3A_21 : i32 to index
      %swap3A_22 = tpu.vector_load %arg5[%swap3A] {strides = array<i32>} : memref<10240xf32, #tpu.memory_space<vmem>>, vector<16xf32>,
      tpu.vector_store %arg5[%swap3A], %broadcast_in_dim3A_19 {strides = array<i32>} : memref<10240xf32, #tpu.memory_space<vmem>>, vector<16xf32>,
    }
    %scan3A_6 = arith.constant 640 : i32
    %broadcast_in_dim3A = arith.constant 1.000000e+00 : f32
    %broadcast_in_dim3A_7 = vector.broadcast %broadcast_in_dim3A : f32 to vector<16xf32>
    %scan3A_8 = arith.constant 0 : i32
    %scan3A_9 = arith.constant 125 : i32
    %scan3A_10 = arith.addi %scan3A_8, %scan3A_9 : i32
    %scan3A_11 = arith.constant 1 : i32
    scf.for %scan3A_13 = %scan3A_8 to %scan3A_10 step %scan3A_11  : i32 {
      %mul3A_14 = arith.constant 1 : i32
      %mul3A_15 = arith.muli %scan3A_13, %mul3A_14 : i32
      %add3A_16 = arith.constant 0 : i32
      %add3A_17 = arith.addi %add3A_16, %mul3A_15 : i32
      %mul3A_18 = arith.constant 80 : i32
      %mul3A_19 = arith.muli %add3A_17, %mul3A_18 : i32
      %add3A_20 = arith.addi %mul3A_2, %mul3A_19 : i32
      "tpu.region"() ({
        %run_scoped3A = tpu.sem_alloc : memref<!tpu.dma_semaphore, #tpu.memory_space<semaphore_mem>>
        %dma_start3A = tpu.memref_slice %arg2[%add3A_20] : memref<320000xi32, #tpu.memory_space<hbm>> -> memref<80xi32, #tpu.memory_space<hbm>>
        %dma_start3A_26 = tpu.memref_slice %arg2[%add3A_20] : memref<320000xi32, #tpu.memory_space<hbm>> -> memref<80xi32, #tpu.memory_space<hbm>>
        tpu.enqueue_dma source(%dma_start3A_26 : memref<80xi32, #tpu.memory_space<hbm>>) target(%arg4 : memref<80xi32, #tpu.memory_space<vmem>>) target_semaphore(%run_scoped3A : memref<!tpu.dma_semaphore, #tpu.memory_space<semaphore_mem>>)
        %dma_wait3A = tpu.memref_slice %arg2[%add3A_20] : memref<320000xi32, #tpu.memory_space<hbm>> -> memref<80xi32, #tpu.memory_space<hbm>>
        %dma_wait3A_27 = tpu.memref_slice %arg2[%add3A_20] : memref<320000xi32, #tpu.memory_space<hbm>> -> memref<80xi32, #tpu.memory_space<hbm>>
        tpu.wait_dma2 semaphore(%run_scoped3A : memref<!tpu.dma_semaphore, #tpu.memory_space<semaphore_mem>>) src(%dma_wait3A_27 : memref<80xi32, #tpu.memory_space<hbm>>) dst(%arg4 : memref<80xi32, #tpu.memory_space<vmem>>)
        tpu.yield
      }) : () -> ()
      %scan3A_21 = arith.constant 0 : i32
      %scan3A_22 = arith.constant 5 : i32
      %scan3A_23 = arith.addi %scan3A_21, %scan3A_22 : i32
      %scan3A_24 = arith.constant 1 : i32
      scf.for %scan3A_26 = %scan3A_21 to %scan3A_23 step %scan3A_24  : i32 {
        %mul3A_27 = arith.constant 1 : i32
        %mul3A_28 = arith.muli %scan3A_26, %mul3A_27 : i32
        %add3A_29 = arith.constant 0 : i32
        %add3A_30 = arith.addi %add3A_29, %mul3A_28 : i32
        %mul3A_31 = arith.constant 16 : i32
        %mul3A_32 = arith.muli %add3A_30, %mul3A_31 : i32
        %get3A = arith.index_cast %mul3A_32 : i32 to index
        %get3A_33 = tpu.vector_load %arg4[%get3A] {strides = array<i32>} : memref<80xi32, #tpu.memory_space<vmem>>, vector<16xi32>,
        tpu.vector_store_idx %arg5[%get3A_33], %broadcast_in_dim3A_7 {add = true} : memref<10240xf32, #tpu.memory_space<vmem>>[vector<16xi32>], vector<16xf32>,
      }
      %scan3A_25 = arith.constant 5 : i32
    }
    %scan3A_12 = arith.constant 125 : i32
    "tpu.region"() ({
      %run_scoped3A = tpu.sem_alloc : memref<!tpu.dma_semaphore, #tpu.memory_space<semaphore_mem>>
      %dma_start3A = arith.constant 0 : i32
      %dma_start3A_13 = tpu.memref_slice %arg3[%add3A, %dma_start3A] : memref<32x10240xf32, #tpu.memory_space<hbm>> -> memref<1x10240xf32, #tpu.memory_space<hbm>>
      %dma_start3A_14 = tpu.memref_squeeze %dma_start3A_13 : memref<1x10240xf32, #tpu.memory_space<hbm>> -> memref<10240xf32, #tpu.memory_space<hbm>>
      %dma_start3A_15 = arith.constant 0 : i32
      %dma_start3A_16 = tpu.memref_slice %arg3[%add3A, %dma_start3A_15] : memref<32x10240xf32, #tpu.memory_space<hbm>> -> memref<1x10240xf32, #tpu.memory_space<hbm>>
      %dma_start3A_17 = tpu.memref_squeeze %dma_start3A_16 : memref<1x10240xf32, #tpu.memory_space<hbm>> -> memref<10240xf32, #tpu.memory_space<hbm>>
      tpu.enqueue_dma source(%arg5 : memref<10240xf32, #tpu.memory_space<vmem>>) target(%dma_start3A_17 : memref<10240xf32, #tpu.memory_space<hbm>>) target_semaphore(%run_scoped3A : memref<!tpu.dma_semaphore, #tpu.memory_space<semaphore_mem>>)
      %dma_wait3A = arith.constant 0 : i32
      %dma_wait3A_18 = tpu.memref_slice %arg3[%add3A, %dma_wait3A] : memref<32x10240xf32, #tpu.memory_space<hbm>> -> memref<1x10240xf32, #tpu.memory_space<hbm>>
      %dma_wait3A_19 = tpu.memref_squeeze %dma_wait3A_18 : memref<1x10240xf32, #tpu.memory_space<hbm>> -> memref<10240xf32, #tpu.memory_space<hbm>>
      %dma_wait3A_20 = arith.constant 0 : i32
      %dma_wait3A_21 = tpu.memref_slice %arg3[%add3A, %dma_wait3A_20] : memref<32x10240xf32, #tpu.memory_space<hbm>> -> memref<1x10240xf32, #tpu.memory_space<hbm>>
      %dma_wait3A_22 = tpu.memref_squeeze %dma_wait3A_21 : memref<1x10240xf32, #tpu.memory_space<hbm>> -> memref<10240xf32, #tpu.memory_space<hbm>>
      tpu.wait_dma2 semaphore(%run_scoped3A : memref<!tpu.dma_semaphore, #tpu.memory_space<semaphore_mem>>) src(%arg5 : memref<10240xf32, #tpu.memory_space<vmem>>) dst(%dma_wait3A_22 : memref<10240xf32, #tpu.memory_space<hbm>>)
      tpu.yield
    }) : () -> ()
    return
  }
}

#map = affine_map<(d0, d1) -> (0, 0)>
#map1 = affine_map<(d0, d1) -> (0)>
#map2 = affine_map<(d0, d1) -> (0, 0, 0)>
module attributes {stable_mosaic.version = 14 : i64} {
  func.func @agg_kernel(%arg0: i32, %arg1: i32, %arg2: memref<10000x128xf32, #tpu.memory_space<hbm>>, %arg3: memref<320000xi32, #tpu.memory_space<hbm>>, %arg4: memref<320000xi32, #tpu.memory_space<hbm>>, %arg5: memref<2x10240x128xf32, #tpu.memory_space<hbm>>, %arg6: memref<2x80xi32, #tpu.memory_space<vmem>>, %arg7: memref<2x80xi32, #tpu.memory_space<vmem>>, %arg8: memref<80x128xf32, #tpu.memory_space<vmem>>, %arg9: memref<80x128xf32, #tpu.memory_space<vmem>>, %arg10: memref<128x128xf32, #tpu.memory_space<vmem>>, %arg11: memref<10240x128xf32, #tpu.memory_space<vmem_shared>>, %arg12: memref<!tpu.dma_semaphore, #tpu.memory_space<semaphore_mem>>, %arg13: memref<!tpu.dma_semaphore, #tpu.memory_space<semaphore_mem>>) attributes {dimension_semantics = [#tpu.dimension_semantics<core_parallel>, #tpu.dimension_semantics<subcore_parallel>], iteration_bounds = array<i64: 2, 16>, scalar_prefetch = 0 : i64, scratch_operands = 8 : i64, tpu.core_type = #tpu.core_type<sc_vector_subcore>, window_params = [{transform_indices = #map}, {transform_indices = #map1}, {transform_indices = #map1}, {transform_indices = #map2}]} {
    %mul3A = arith.constant 16 : i32
    %mul3A_0 = arith.muli %arg0, %mul3A : i32
    %add3A = arith.addi %mul3A_0, %arg1 : i32
    %mul3A_1 = arith.constant 10000 : i32
    %mul3A_2 = arith.muli %add3A, %mul3A_1 : i32
    %scan3A = arith.constant 0 : i32
    %scan3A_3 = arith.constant 128 : i32
    %scan3A_4 = arith.addi %scan3A, %scan3A_3 : i32
    %scan3A_5 = arith.constant 1 : i32
    scf.for %scan3A_37 = %scan3A to %scan3A_4 step %scan3A_5  : i32 {
      %mul3A_38 = arith.constant 1 : i32
      %mul3A_39 = arith.muli %scan3A_37, %mul3A_38 : i32
      %add3A_40 = arith.constant 0 : i32
      %add3A_41 = arith.addi %add3A_40, %mul3A_39 : i32
      %scan3A_42 = arith.constant 0 : i32
      %scan3A_43 = arith.constant 8 : i32
      %scan3A_44 = arith.addi %scan3A_42, %scan3A_43 : i32
      %scan3A_45 = arith.constant 1 : i32
      scf.for %scan3A_47 = %scan3A_42 to %scan3A_44 step %scan3A_45  : i32 {
        %mul3A_48 = arith.constant 1 : i32
        %mul3A_49 = arith.muli %scan3A_47, %mul3A_48 : i32
        %add3A_50 = arith.constant 0 : i32
        %add3A_51 = arith.addi %add3A_50, %mul3A_49 : i32
        %broadcast_in_dim3A = arith.constant 0.000000e+00 : f32
        %broadcast_in_dim3A_52 = vector.broadcast %broadcast_in_dim3A : f32 to vector<16xf32>
        %mul3A_53 = arith.constant 16 : i32
        %mul3A_54 = arith.muli %add3A_51, %mul3A_53 : i32
        %swap3A = arith.index_cast %add3A_41 : i32 to index
        %swap3A_55 = arith.index_cast %mul3A_54 : i32 to index
        %swap3A_56 = tpu.vector_load %arg10[%swap3A, %swap3A_55] {strides = array<i32>} : memref<128x128xf32, #tpu.memory_space<vmem>>, vector<1x16xf32>,
        %swap3A_57 = vector.shape_cast %swap3A_56 : vector<1x16xf32> to vector<16xf32>
        %swap3A_58 = vector.shape_cast %broadcast_in_dim3A_52 : vector<16xf32> to vector<1x16xf32>
        tpu.vector_store %arg10[%swap3A, %swap3A_55], %swap3A_58 {strides = array<i32>} : memref<128x128xf32, #tpu.memory_space<vmem>>, vector<1x16xf32>,
      }
      %scan3A_46 = arith.constant 8 : i32
    }
    %scan3A_6 = arith.constant 128 : i32
    %scan3A_7 = arith.constant 0 : i32
    %scan3A_8 = arith.constant 5 : i32
    %scan3A_9 = arith.addi %scan3A_7, %scan3A_8 : i32
    %scan3A_10 = arith.constant 1 : i32
    scf.for %scan3A_37 = %scan3A_7 to %scan3A_9 step %scan3A_10  : i32 {
      %mul3A_38 = arith.constant 1 : i32
      %mul3A_39 = arith.muli %scan3A_37, %mul3A_38 : i32
      %add3A_40 = arith.constant 0 : i32
      %add3A_41 = arith.addi %add3A_40, %mul3A_39 : i32
      %mul3A_42 = arith.constant 640 : i32
      %mul3A_43 = arith.muli %arg1, %mul3A_42 : i32
      %mul3A_44 = arith.constant 128 : i32
      %mul3A_45 = arith.muli %add3A_41, %mul3A_44 : i32
      %add3A_46 = arith.addi %mul3A_43, %mul3A_45 : i32
      "tpu.region"() ({
        %run_scoped3A_47 = tpu.sem_alloc : memref<!tpu.dma_semaphore, #tpu.memory_space<semaphore_mem>>
        %dma_start3A_48 = arith.constant 0 : i32
        %dma_start3A_49 = tpu.memref_slice %arg11[%add3A_46, %dma_start3A_48] : memref<10240x128xf32, #tpu.memory_space<vmem_shared>> -> memref<128x128xf32, #tpu.memory_space<vmem_shared>>
        %dma_start3A_50 = arith.constant 0 : i32
        %dma_start3A_51 = tpu.memref_slice %arg11[%add3A_46, %dma_start3A_50] : memref<10240x128xf32, #tpu.memory_space<vmem_shared>> -> memref<128x128xf32, #tpu.memory_space<vmem_shared>>
        tpu.enqueue_dma source(%arg10 : memref<128x128xf32, #tpu.memory_space<vmem>>) target(%dma_start3A_51 : memref<128x128xf32, #tpu.memory_space<vmem_shared>>) target_semaphore(%run_scoped3A_47 : memref<!tpu.dma_semaphore, #tpu.memory_space<semaphore_mem>>)
        %dma_wait3A_52 = arith.constant 0 : i32
        %dma_wait3A_53 = tpu.memref_slice %arg11[%add3A_46, %dma_wait3A_52] : memref<10240x128xf32, #tpu.memory_space<vmem_shared>> -> memref<128x128xf32, #tpu.memory_space<vmem_shared>>
        %dma_wait3A_54 = arith.constant 0 : i32
        %dma_wait3A_55 = tpu.memref_slice %arg11[%add3A_46, %dma_wait3A_54] : memref<10240x128xf32, #tpu.memory_space<vmem_shared>> -> memref<128x128xf32, #tpu.memory_space<vmem_shared>>
        tpu.wait_dma2 semaphore(%run_scoped3A_47 : memref<!tpu.dma_semaphore, #tpu.memory_space<semaphore_mem>>) src(%arg10 : memref<128x128xf32, #tpu.memory_space<vmem>>) dst(%dma_wait3A_55 : memref<128x128xf32, #tpu.memory_space<vmem_shared>>)
        tpu.yield
      }) : () -> ()
    }
    %scan3A_11 = arith.constant 5 : i32
    %barrier3A = arith.constant 0 : index
    tpu.barrier barrier_id(%barrier3A)
    %run_scoped3A = arith.constant 0 : i32
    "tpu.region"() ({
      %run_scoped3A_37 = tpu.sem_alloc : memref<!tpu.dma_semaphore, #tpu.memory_space<semaphore_mem>>
      %dma_start3A_38 = arith.constant 0 : i32
      %dma_start3A_39 = tpu.memref_slice %arg6[%run_scoped3A, %dma_start3A_38] : memref<2x80xi32, #tpu.memory_space<vmem>> -> memref<1x80xi32, #tpu.memory_space<vmem>>
      %dma_start3A_40 = tpu.memref_squeeze %dma_start3A_39 : memref<1x80xi32, #tpu.memory_space<vmem>> -> memref<80xi32, #tpu.memory_space<vmem>>
      %dma_start3A_41 = tpu.memref_slice %arg3[%mul3A_2] : memref<320000xi32, #tpu.memory_space<hbm>> -> memref<80xi32, #tpu.memory_space<hbm>>
      %dma_start3A_42 = arith.constant 0 : i32
      %dma_start3A_43 = tpu.memref_slice %arg6[%run_scoped3A, %dma_start3A_42] : memref<2x80xi32, #tpu.memory_space<vmem>> -> memref<1x80xi32, #tpu.memory_space<vmem>>
      %dma_start3A_44 = tpu.memref_squeeze %dma_start3A_43 : memref<1x80xi32, #tpu.memory_space<vmem>> -> memref<80xi32, #tpu.memory_space<vmem>>
      %dma_start3A_45 = tpu.memref_slice %arg3[%mul3A_2] : memref<320000xi32, #tpu.memory_space<hbm>> -> memref<80xi32, #tpu.memory_space<hbm>>
      tpu.enqueue_dma source(%dma_start3A_45 : memref<80xi32, #tpu.memory_space<hbm>>) target(%dma_start3A_44 : memref<80xi32, #tpu.memory_space<vmem>>) target_semaphore(%run_scoped3A_37 : memref<!tpu.dma_semaphore, #tpu.memory_space<semaphore_mem>>)
      %dma_wait3A_46 = arith.constant 0 : i32
      %dma_wait3A_47 = tpu.memref_slice %arg6[%run_scoped3A, %dma_wait3A_46] : memref<2x80xi32, #tpu.memory_space<vmem>> -> memref<1x80xi32, #tpu.memory_space<vmem>>
      %dma_wait3A_48 = tpu.memref_squeeze %dma_wait3A_47 : memref<1x80xi32, #tpu.memory_space<vmem>> -> memref<80xi32, #tpu.memory_space<vmem>>
      %dma_wait3A_49 = tpu.memref_slice %arg3[%mul3A_2] : memref<320000xi32, #tpu.memory_space<hbm>> -> memref<80xi32, #tpu.memory_space<hbm>>
      %dma_wait3A_50 = arith.constant 0 : i32
      %dma_wait3A_51 = tpu.memref_slice %arg6[%run_scoped3A, %dma_wait3A_50] : memref<2x80xi32, #tpu.memory_space<vmem>> -> memref<1x80xi32, #tpu.memory_space<vmem>>
      %dma_wait3A_52 = tpu.memref_squeeze %dma_wait3A_51 : memref<1x80xi32, #tpu.memory_space<vmem>> -> memref<80xi32, #tpu.memory_space<vmem>>
      %dma_wait3A_53 = tpu.memref_slice %arg3[%mul3A_2] : memref<320000xi32, #tpu.memory_space<hbm>> -> memref<80xi32, #tpu.memory_space<hbm>>
      tpu.wait_dma2 semaphore(%run_scoped3A_37 : memref<!tpu.dma_semaphore, #tpu.memory_space<semaphore_mem>>) src(%dma_wait3A_53 : memref<80xi32, #tpu.memory_space<hbm>>) dst(%dma_wait3A_52 : memref<80xi32, #tpu.memory_space<vmem>>)
      tpu.yield
    }) : () -> ()
    %run_scoped3A_12 = arith.constant 0 : i32
    "tpu.region"() ({
      %run_scoped3A_37 = tpu.sem_alloc : memref<!tpu.dma_semaphore, #tpu.memory_space<semaphore_mem>>
      %dma_start3A_38 = arith.constant 0 : i32
      %dma_start3A_39 = tpu.memref_slice %arg7[%run_scoped3A_12, %dma_start3A_38] : memref<2x80xi32, #tpu.memory_space<vmem>> -> memref<1x80xi32, #tpu.memory_space<vmem>>
      %dma_start3A_40 = tpu.memref_squeeze %dma_start3A_39 : memref<1x80xi32, #tpu.memory_space<vmem>> -> memref<80xi32, #tpu.memory_space<vmem>>
      %dma_start3A_41 = tpu.memref_slice %arg4[%mul3A_2] : memref<320000xi32, #tpu.memory_space<hbm>> -> memref<80xi32, #tpu.memory_space<hbm>>
      %dma_start3A_42 = arith.constant 0 : i32
      %dma_start3A_43 = tpu.memref_slice %arg7[%run_scoped3A_12, %dma_start3A_42] : memref<2x80xi32, #tpu.memory_space<vmem>> -> memref<1x80xi32, #tpu.memory_space<vmem>>
      %dma_start3A_44 = tpu.memref_squeeze %dma_start3A_43 : memref<1x80xi32, #tpu.memory_space<vmem>> -> memref<80xi32, #tpu.memory_space<vmem>>
      %dma_start3A_45 = tpu.memref_slice %arg4[%mul3A_2] : memref<320000xi32, #tpu.memory_space<hbm>> -> memref<80xi32, #tpu.memory_space<hbm>>
      tpu.enqueue_dma source(%dma_start3A_45 : memref<80xi32, #tpu.memory_space<hbm>>) target(%dma_start3A_44 : memref<80xi32, #tpu.memory_space<vmem>>) target_semaphore(%run_scoped3A_37 : memref<!tpu.dma_semaphore, #tpu.memory_space<semaphore_mem>>)
      %dma_wait3A_46 = arith.constant 0 : i32
      %dma_wait3A_47 = tpu.memref_slice %arg7[%run_scoped3A_12, %dma_wait3A_46] : memref<2x80xi32, #tpu.memory_space<vmem>> -> memref<1x80xi32, #tpu.memory_space<vmem>>
      %dma_wait3A_48 = tpu.memref_squeeze %dma_wait3A_47 : memref<1x80xi32, #tpu.memory_space<vmem>> -> memref<80xi32, #tpu.memory_space<vmem>>
      %dma_wait3A_49 = tpu.memref_slice %arg4[%mul3A_2] : memref<320000xi32, #tpu.memory_space<hbm>> -> memref<80xi32, #tpu.memory_space<hbm>>
      %dma_wait3A_50 = arith.constant 0 : i32
      %dma_wait3A_51 = tpu.memref_slice %arg7[%run_scoped3A_12, %dma_wait3A_50] : memref<2x80xi32, #tpu.memory_space<vmem>> -> memref<1x80xi32, #tpu.memory_space<vmem>>
      %dma_wait3A_52 = tpu.memref_squeeze %dma_wait3A_51 : memref<1x80xi32, #tpu.memory_space<vmem>> -> memref<80xi32, #tpu.memory_space<vmem>>
      %dma_wait3A_53 = tpu.memref_slice %arg4[%mul3A_2] : memref<320000xi32, #tpu.memory_space<hbm>> -> memref<80xi32, #tpu.memory_space<hbm>>
      tpu.wait_dma2 semaphore(%run_scoped3A_37 : memref<!tpu.dma_semaphore, #tpu.memory_space<semaphore_mem>>) src(%dma_wait3A_53 : memref<80xi32, #tpu.memory_space<hbm>>) dst(%dma_wait3A_52 : memref<80xi32, #tpu.memory_space<vmem>>)
      tpu.yield
    }) : () -> ()
    %dma_start3A = arith.constant 0 : i32
    %dma_start3A_13 = arith.constant 0 : i32
    %dma_start3A_14 = tpu.memref_slice %arg6[%dma_start3A, %dma_start3A_13] : memref<2x80xi32, #tpu.memory_space<vmem>> -> memref<1x80xi32, #tpu.memory_space<vmem>>
    %dma_start3A_15 = tpu.memref_squeeze %dma_start3A_14 : memref<1x80xi32, #tpu.memory_space<vmem>> -> memref<80xi32, #tpu.memory_space<vmem>>
    %dma_start3A_16 = arith.constant 0 : i32
    %dma_start3A_17 = arith.constant 0 : i32
    %dma_start3A_18 = tpu.memref_slice %arg2[%dma_start3A_16, %dma_start3A_17] : memref<10000x128xf32, #tpu.memory_space<hbm>> -> memref<10000x128xf32, #tpu.memory_space<hbm>>
    tpu.enqueue_indirect_dma source(%dma_start3A_18 : memref<10000x128xf32, #tpu.memory_space<hbm>>) target(%arg8 : memref<80x128xf32, #tpu.memory_space<vmem>>) offsets(%dma_start3A_15 : memref<80xi32, #tpu.memory_space<vmem>>) semaphore(%arg12 : memref<!tpu.dma_semaphore, #tpu.memory_space<semaphore_mem>>)
    %scan3A_19 = arith.constant 0 : i32
    %scan3A_20 = arith.constant 62 : i32
    %scan3A_21 = arith.addi %scan3A_19, %scan3A_20 : i32
    %scan3A_22 = arith.constant 1 : i32
    scf.for %scan3A_37 = %scan3A_19 to %scan3A_21 step %scan3A_22  : i32 {
      %mul3A_38 = arith.constant 1 : i32
      %mul3A_39 = arith.muli %scan3A_37, %mul3A_38 : i32
      %add3A_40 = arith.constant 0 : i32
      %add3A_41 = arith.addi %add3A_40, %mul3A_39 : i32
      %mul3A_42 = arith.constant 2 : i32
      %mul3A_43 = arith.muli %mul3A_42, %add3A_41 : i32
      %add3A_44 = arith.constant 1 : i32
      %add3A_45 = arith.addi %mul3A_43, %add3A_44 : i32
      %mul3A_46 = arith.constant 80 : i32
      %mul3A_47 = arith.muli %add3A_45, %mul3A_46 : i32
      %add3A_48 = arith.addi %mul3A_2, %mul3A_47 : i32
      %run_scoped3A_49 = arith.constant 1 : i32
      "tpu.region"() ({
        %run_scoped3A_96 = tpu.sem_alloc : memref<!tpu.dma_semaphore, #tpu.memory_space<semaphore_mem>>
        %dma_start3A_97 = arith.constant 0 : i32
        %dma_start3A_98 = tpu.memref_slice %arg6[%run_scoped3A_49, %dma_start3A_97] : memref<2x80xi32, #tpu.memory_space<vmem>> -> memref<1x80xi32, #tpu.memory_space<vmem>>
        %dma_start3A_99 = tpu.memref_squeeze %dma_start3A_98 : memref<1x80xi32, #tpu.memory_space<vmem>> -> memref<80xi32, #tpu.memory_space<vmem>>
        %dma_start3A_100 = tpu.memref_slice %arg3[%add3A_48] : memref<320000xi32, #tpu.memory_space<hbm>> -> memref<80xi32, #tpu.memory_space<hbm>>
        %dma_start3A_101 = arith.constant 0 : i32
        %dma_start3A_102 = tpu.memref_slice %arg6[%run_scoped3A_49, %dma_start3A_101] : memref<2x80xi32, #tpu.memory_space<vmem>> -> memref<1x80xi32, #tpu.memory_space<vmem>>
        %dma_start3A_103 = tpu.memref_squeeze %dma_start3A_102 : memref<1x80xi32, #tpu.memory_space<vmem>> -> memref<80xi32, #tpu.memory_space<vmem>>
        %dma_start3A_104 = tpu.memref_slice %arg3[%add3A_48] : memref<320000xi32, #tpu.memory_space<hbm>> -> memref<80xi32, #tpu.memory_space<hbm>>
        tpu.enqueue_dma source(%dma_start3A_104 : memref<80xi32, #tpu.memory_space<hbm>>) target(%dma_start3A_103 : memref<80xi32, #tpu.memory_space<vmem>>) target_semaphore(%run_scoped3A_96 : memref<!tpu.dma_semaphore, #tpu.memory_space<semaphore_mem>>)
        %dma_wait3A_105 = arith.constant 0 : i32
        %dma_wait3A_106 = tpu.memref_slice %arg6[%run_scoped3A_49, %dma_wait3A_105] : memref<2x80xi32, #tpu.memory_space<vmem>> -> memref<1x80xi32, #tpu.memory_space<vmem>>
        %dma_wait3A_107 = tpu.memref_squeeze %dma_wait3A_106 : memref<1x80xi32, #tpu.memory_space<vmem>> -> memref<80xi32, #tpu.memory_space<vmem>>
        %dma_wait3A_108 = tpu.memref_slice %arg3[%add3A_48] : memref<320000xi32, #tpu.memory_space<hbm>> -> memref<80xi32, #tpu.memory_space<hbm>>
        %dma_wait3A_109 = arith.constant 0 : i32
        %dma_wait3A_110 = tpu.memref_slice %arg6[%run_scoped3A_49, %dma_wait3A_109] : memref<2x80xi32, #tpu.memory_space<vmem>> -> memref<1x80xi32, #tpu.memory_space<vmem>>
        %dma_wait3A_111 = tpu.memref_squeeze %dma_wait3A_110 : memref<1x80xi32, #tpu.memory_space<vmem>> -> memref<80xi32, #tpu.memory_space<vmem>>
        %dma_wait3A_112 = tpu.memref_slice %arg3[%add3A_48] : memref<320000xi32, #tpu.memory_space<hbm>> -> memref<80xi32, #tpu.memory_space<hbm>>
        tpu.wait_dma2 semaphore(%run_scoped3A_96 : memref<!tpu.dma_semaphore, #tpu.memory_space<semaphore_mem>>) src(%dma_wait3A_112 : memref<80xi32, #tpu.memory_space<hbm>>) dst(%dma_wait3A_111 : memref<80xi32, #tpu.memory_space<vmem>>)
        tpu.yield
      }) : () -> ()
      %mul3A_50 = arith.constant 80 : i32
      %mul3A_51 = arith.muli %add3A_45, %mul3A_50 : i32
      %add3A_52 = arith.addi %mul3A_2, %mul3A_51 : i32
      %run_scoped3A_53 = arith.constant 1 : i32
      "tpu.region"() ({
        %run_scoped3A_96 = tpu.sem_alloc : memref<!tpu.dma_semaphore, #tpu.memory_space<semaphore_mem>>
        %dma_start3A_97 = arith.constant 0 : i32
        %dma_start3A_98 = tpu.memref_slice %arg7[%run_scoped3A_53, %dma_start3A_97] : memref<2x80xi32, #tpu.memory_space<vmem>> -> memref<1x80xi32, #tpu.memory_space<vmem>>
        %dma_start3A_99 = tpu.memref_squeeze %dma_start3A_98 : memref<1x80xi32, #tpu.memory_space<vmem>> -> memref<80xi32, #tpu.memory_space<vmem>>
        %dma_start3A_100 = tpu.memref_slice %arg4[%add3A_52] : memref<320000xi32, #tpu.memory_space<hbm>> -> memref<80xi32, #tpu.memory_space<hbm>>
        %dma_start3A_101 = arith.constant 0 : i32
        %dma_start3A_102 = tpu.memref_slice %arg7[%run_scoped3A_53, %dma_start3A_101] : memref<2x80xi32, #tpu.memory_space<vmem>> -> memref<1x80xi32, #tpu.memory_space<vmem>>
        %dma_start3A_103 = tpu.memref_squeeze %dma_start3A_102 : memref<1x80xi32, #tpu.memory_space<vmem>> -> memref<80xi32, #tpu.memory_space<vmem>>
        %dma_start3A_104 = tpu.memref_slice %arg4[%add3A_52] : memref<320000xi32, #tpu.memory_space<hbm>> -> memref<80xi32, #tpu.memory_space<hbm>>
        tpu.enqueue_dma source(%dma_start3A_104 : memref<80xi32, #tpu.memory_space<hbm>>) target(%dma_start3A_103 : memref<80xi32, #tpu.memory_space<vmem>>) target_semaphore(%run_scoped3A_96 : memref<!tpu.dma_semaphore, #tpu.memory_space<semaphore_mem>>)
        %dma_wait3A_105 = arith.constant 0 : i32
        %dma_wait3A_106 = tpu.memref_slice %arg7[%run_scoped3A_53, %dma_wait3A_105] : memref<2x80xi32, #tpu.memory_space<vmem>> -> memref<1x80xi32, #tpu.memory_space<vmem>>
        %dma_wait3A_107 = tpu.memref_squeeze %dma_wait3A_106 : memref<1x80xi32, #tpu.memory_space<vmem>> -> memref<80xi32, #tpu.memory_space<vmem>>
        %dma_wait3A_108 = tpu.memref_slice %arg4[%add3A_52] : memref<320000xi32, #tpu.memory_space<hbm>> -> memref<80xi32, #tpu.memory_space<hbm>>
        %dma_wait3A_109 = arith.constant 0 : i32
        %dma_wait3A_110 = tpu.memref_slice %arg7[%run_scoped3A_53, %dma_wait3A_109] : memref<2x80xi32, #tpu.memory_space<vmem>> -> memref<1x80xi32, #tpu.memory_space<vmem>>
        %dma_wait3A_111 = tpu.memref_squeeze %dma_wait3A_110 : memref<1x80xi32, #tpu.memory_space<vmem>> -> memref<80xi32, #tpu.memory_space<vmem>>
        %dma_wait3A_112 = tpu.memref_slice %arg4[%add3A_52] : memref<320000xi32, #tpu.memory_space<hbm>> -> memref<80xi32, #tpu.memory_space<hbm>>
        tpu.wait_dma2 semaphore(%run_scoped3A_96 : memref<!tpu.dma_semaphore, #tpu.memory_space<semaphore_mem>>) src(%dma_wait3A_112 : memref<80xi32, #tpu.memory_space<hbm>>) dst(%dma_wait3A_111 : memref<80xi32, #tpu.memory_space<vmem>>)
        tpu.yield
      }) : () -> ()
      %dma_start3A_54 = arith.constant 1 : i32
      %dma_start3A_55 = arith.constant 0 : i32
      %dma_start3A_56 = tpu.memref_slice %arg6[%dma_start3A_54, %dma_start3A_55] : memref<2x80xi32, #tpu.memory_space<vmem>> -> memref<1x80xi32, #tpu.memory_space<vmem>>
      %dma_start3A_57 = tpu.memref_squeeze %dma_start3A_56 : memref<1x80xi32, #tpu.memory_space<vmem>> -> memref<80xi32, #tpu.memory_space<vmem>>
      %dma_start3A_58 = arith.constant 0 : i32
      %dma_start3A_59 = arith.constant 0 : i32
      %dma_start3A_60 = tpu.memref_slice %arg2[%dma_start3A_58, %dma_start3A_59] : memref<10000x128xf32, #tpu.memory_space<hbm>> -> memref<10000x128xf32, #tpu.memory_space<hbm>>
      tpu.enqueue_indirect_dma source(%dma_start3A_60 : memref<10000x128xf32, #tpu.memory_space<hbm>>) target(%arg9 : memref<80x128xf32, #tpu.memory_space<vmem>>) offsets(%dma_start3A_57 : memref<80xi32, #tpu.memory_space<vmem>>) semaphore(%arg13 : memref<!tpu.dma_semaphore, #tpu.memory_space<semaphore_mem>>)
      %dma_wait3A_61 = arith.constant 0 : i32
      %dma_wait3A_62 = arith.constant 0 : i32
      %dma_wait3A_63 = tpu.memref_slice %arg6[%dma_wait3A_61, %dma_wait3A_62] : memref<2x80xi32, #tpu.memory_space<vmem>> -> memref<1x80xi32, #tpu.memory_space<vmem>>
      %dma_wait3A_64 = tpu.memref_squeeze %dma_wait3A_63 : memref<1x80xi32, #tpu.memory_space<vmem>> -> memref<80xi32, #tpu.memory_space<vmem>>
      %dma_wait3A_65 = arith.constant 0 : i32
      %dma_wait3A_66 = arith.constant 0 : i32
      %dma_wait3A_67 = tpu.memref_slice %arg2[%dma_wait3A_65, %dma_wait3A_66] : memref<10000x128xf32, #tpu.memory_space<hbm>> -> memref<10000x128xf32, #tpu.memory_space<hbm>>
      tpu.wait_indirect_dma semaphore(%arg12 : memref<!tpu.dma_semaphore, #tpu.memory_space<semaphore_mem>>) src(%dma_wait3A_67 : memref<10000x128xf32, #tpu.memory_space<hbm>>) dst(%arg8 : memref<80x128xf32, #tpu.memory_space<vmem>>)
      %run_scoped3A_68 = arith.constant 0 : i32
      "tpu.region"() ({
        %run_scoped3A_96 = tpu.sem_alloc : memref<!tpu.dma_semaphore, #tpu.memory_space<semaphore_mem>>
        %dma_start3A_97 = arith.constant 0 : i32
        %dma_start3A_98 = tpu.memref_slice %arg7[%run_scoped3A_68, %dma_start3A_97] : memref<2x80xi32, #tpu.memory_space<vmem>> -> memref<1x80xi32, #tpu.memory_space<vmem>>
        %dma_start3A_99 = tpu.memref_squeeze %dma_start3A_98 : memref<1x80xi32, #tpu.memory_space<vmem>> -> memref<80xi32, #tpu.memory_space<vmem>>
        %dma_start3A_100 = arith.constant 0 : i32
        %dma_start3A_101 = arith.constant 0 : i32
        %dma_start3A_102 = tpu.memref_slice %arg11[%dma_start3A_100, %dma_start3A_101] : memref<10240x128xf32, #tpu.memory_space<vmem_shared>> -> memref<10240x128xf32, #tpu.memory_space<vmem_shared>>
        tpu.enqueue_indirect_dma source(%arg8 : memref<80x128xf32, #tpu.memory_space<vmem>>) target(%dma_start3A_102 : memref<10240x128xf32, #tpu.memory_space<vmem_shared>>) offsets(%dma_start3A_99 : memref<80xi32, #tpu.memory_space<vmem>>) semaphore(%run_scoped3A_96 : memref<!tpu.dma_semaphore, #tpu.memory_space<semaphore_mem>>) {add = true}
        %dma_wait3A_103 = arith.constant 0 : i32
        %dma_wait3A_104 = tpu.memref_slice %arg7[%run_scoped3A_68, %dma_wait3A_103] : memref<2x80xi32, #tpu.memory_space<vmem>> -> memref<1x80xi32, #tpu.memory_space<vmem>>
        %dma_wait3A_105 = tpu.memref_squeeze %dma_wait3A_104 : memref<1x80xi32, #tpu.memory_space<vmem>> -> memref<80xi32, #tpu.memory_space<vmem>>
        %dma_wait3A_106 = arith.constant 0 : i32
        %dma_wait3A_107 = arith.constant 0 : i32
        %dma_wait3A_108 = tpu.memref_slice %arg11[%dma_wait3A_106, %dma_wait3A_107] : memref<10240x128xf32, #tpu.memory_space<vmem_shared>> -> memref<10240x128xf32, #tpu.memory_space<vmem_shared>>
        tpu.wait_indirect_dma semaphore(%run_scoped3A_96 : memref<!tpu.dma_semaphore, #tpu.memory_space<semaphore_mem>>) src(%arg8 : memref<80x128xf32, #tpu.memory_space<vmem>>) dst(%dma_wait3A_108 : memref<10240x128xf32, #tpu.memory_space<vmem_shared>>)
        tpu.yield
      }) : () -> ()
      %mul3A_69 = arith.constant 2 : i32
      %mul3A_70 = arith.muli %mul3A_69, %add3A_41 : i32
      %add3A_71 = arith.constant 2 : i32
      %add3A_72 = arith.addi %mul3A_70, %add3A_71 : i32
      %mul3A_73 = arith.constant 80 : i32
      %mul3A_74 = arith.muli %add3A_72, %mul3A_73 : i32
      %add3A_75 = arith.addi %mul3A_2, %mul3A_74 : i32
      %run_scoped3A_76 = arith.constant 0 : i32
      "tpu.region"() ({
        %run_scoped3A_96 = tpu.sem_alloc : memref<!tpu.dma_semaphore, #tpu.memory_space<semaphore_mem>>
        %dma_start3A_97 = arith.constant 0 : i32
        %dma_start3A_98 = tpu.memref_slice %arg6[%run_scoped3A_76, %dma_start3A_97] : memref<2x80xi32, #tpu.memory_space<vmem>> -> memref<1x80xi32, #tpu.memory_space<vmem>>
        %dma_start3A_99 = tpu.memref_squeeze %dma_start3A_98 : memref<1x80xi32, #tpu.memory_space<vmem>> -> memref<80xi32, #tpu.memory_space<vmem>>
        %dma_start3A_100 = tpu.memref_slice %arg3[%add3A_75] : memref<320000xi32, #tpu.memory_space<hbm>> -> memref<80xi32, #tpu.memory_space<hbm>>
        %dma_start3A_101 = arith.constant 0 : i32
        %dma_start3A_102 = tpu.memref_slice %arg6[%run_scoped3A_76, %dma_start3A_101] : memref<2x80xi32, #tpu.memory_space<vmem>> -> memref<1x80xi32, #tpu.memory_space<vmem>>
        %dma_start3A_103 = tpu.memref_squeeze %dma_start3A_102 : memref<1x80xi32, #tpu.memory_space<vmem>> -> memref<80xi32, #tpu.memory_space<vmem>>
        %dma_start3A_104 = tpu.memref_slice %arg3[%add3A_75] : memref<320000xi32, #tpu.memory_space<hbm>> -> memref<80xi32, #tpu.memory_space<hbm>>
        tpu.enqueue_dma source(%dma_start3A_104 : memref<80xi32, #tpu.memory_space<hbm>>) target(%dma_start3A_103 : memref<80xi32, #tpu.memory_space<vmem>>) target_semaphore(%run_scoped3A_96 : memref<!tpu.dma_semaphore, #tpu.memory_space<semaphore_mem>>)
        %dma_wait3A_105 = arith.constant 0 : i32
        %dma_wait3A_106 = tpu.memref_slice %arg6[%run_scoped3A_76, %dma_wait3A_105] : memref<2x80xi32, #tpu.memory_space<vmem>> -> memref<1x80xi32, #tpu.memory_space<vmem>>
        %dma_wait3A_107 = tpu.memref_squeeze %dma_wait3A_106 : memref<1x80xi32, #tpu.memory_space<vmem>> -> memref<80xi32, #tpu.memory_space<vmem>>
        %dma_wait3A_108 = tpu.memref_slice %arg3[%add3A_75] : memref<320000xi32, #tpu.memory_space<hbm>> -> memref<80xi32, #tpu.memory_space<hbm>>
        %dma_wait3A_109 = arith.constant 0 : i32
        %dma_wait3A_110 = tpu.memref_slice %arg6[%run_scoped3A_76, %dma_wait3A_109] : memref<2x80xi32, #tpu.memory_space<vmem>> -> memref<1x80xi32, #tpu.memory_space<vmem>>
        %dma_wait3A_111 = tpu.memref_squeeze %dma_wait3A_110 : memref<1x80xi32, #tpu.memory_space<vmem>> -> memref<80xi32, #tpu.memory_space<vmem>>
        %dma_wait3A_112 = tpu.memref_slice %arg3[%add3A_75] : memref<320000xi32, #tpu.memory_space<hbm>> -> memref<80xi32, #tpu.memory_space<hbm>>
        tpu.wait_dma2 semaphore(%run_scoped3A_96 : memref<!tpu.dma_semaphore, #tpu.memory_space<semaphore_mem>>) src(%dma_wait3A_112 : memref<80xi32, #tpu.memory_space<hbm>>) dst(%dma_wait3A_111 : memref<80xi32, #tpu.memory_space<vmem>>)
        tpu.yield
      }) : () -> ()
      %mul3A_77 = arith.constant 80 : i32
      %mul3A_78 = arith.muli %add3A_72, %mul3A_77 : i32
      %add3A_79 = arith.addi %mul3A_2, %mul3A_78 : i32
      %run_scoped3A_80 = arith.constant 0 : i32
      "tpu.region"() ({
        %run_scoped3A_96 = tpu.sem_alloc : memref<!tpu.dma_semaphore, #tpu.memory_space<semaphore_mem>>
        %dma_start3A_97 = arith.constant 0 : i32
        %dma_start3A_98 = tpu.memref_slice %arg7[%run_scoped3A_80, %dma_start3A_97] : memref<2x80xi32, #tpu.memory_space<vmem>> -> memref<1x80xi32, #tpu.memory_space<vmem>>
        %dma_start3A_99 = tpu.memref_squeeze %dma_start3A_98 : memref<1x80xi32, #tpu.memory_space<vmem>> -> memref<80xi32, #tpu.memory_space<vmem>>
        %dma_start3A_100 = tpu.memref_slice %arg4[%add3A_79] : memref<320000xi32, #tpu.memory_space<hbm>> -> memref<80xi32, #tpu.memory_space<hbm>>
        %dma_start3A_101 = arith.constant 0 : i32
        %dma_start3A_102 = tpu.memref_slice %arg7[%run_scoped3A_80, %dma_start3A_101] : memref<2x80xi32, #tpu.memory_space<vmem>> -> memref<1x80xi32, #tpu.memory_space<vmem>>
        %dma_start3A_103 = tpu.memref_squeeze %dma_start3A_102 : memref<1x80xi32, #tpu.memory_space<vmem>> -> memref<80xi32, #tpu.memory_space<vmem>>
        %dma_start3A_104 = tpu.memref_slice %arg4[%add3A_79] : memref<320000xi32, #tpu.memory_space<hbm>> -> memref<80xi32, #tpu.memory_space<hbm>>
        tpu.enqueue_dma source(%dma_start3A_104 : memref<80xi32, #tpu.memory_space<hbm>>) target(%dma_start3A_103 : memref<80xi32, #tpu.memory_space<vmem>>) target_semaphore(%run_scoped3A_96 : memref<!tpu.dma_semaphore, #tpu.memory_space<semaphore_mem>>)
        %dma_wait3A_105 = arith.constant 0 : i32
        %dma_wait3A_106 = tpu.memref_slice %arg7[%run_scoped3A_80, %dma_wait3A_105] : memref<2x80xi32, #tpu.memory_space<vmem>> -> memref<1x80xi32, #tpu.memory_space<vmem>>
        %dma_wait3A_107 = tpu.memref_squeeze %dma_wait3A_106 : memref<1x80xi32, #tpu.memory_space<vmem>> -> memref<80xi32, #tpu.memory_space<vmem>>
        %dma_wait3A_108 = tpu.memref_slice %arg4[%add3A_79] : memref<320000xi32, #tpu.memory_space<hbm>> -> memref<80xi32, #tpu.memory_space<hbm>>
        %dma_wait3A_109 = arith.constant 0 : i32
        %dma_wait3A_110 = tpu.memref_slice %arg7[%run_scoped3A_80, %dma_wait3A_109] : memref<2x80xi32, #tpu.memory_space<vmem>> -> memref<1x80xi32, #tpu.memory_space<vmem>>
        %dma_wait3A_111 = tpu.memref_squeeze %dma_wait3A_110 : memref<1x80xi32, #tpu.memory_space<vmem>> -> memref<80xi32, #tpu.memory_space<vmem>>
        %dma_wait3A_112 = tpu.memref_slice %arg4[%add3A_79] : memref<320000xi32, #tpu.memory_space<hbm>> -> memref<80xi32, #tpu.memory_space<hbm>>
        tpu.wait_dma2 semaphore(%run_scoped3A_96 : memref<!tpu.dma_semaphore, #tpu.memory_space<semaphore_mem>>) src(%dma_wait3A_112 : memref<80xi32, #tpu.memory_space<hbm>>) dst(%dma_wait3A_111 : memref<80xi32, #tpu.memory_space<vmem>>)
        tpu.yield
      }) : () -> ()
      %dma_start3A_81 = arith.constant 0 : i32
      %dma_start3A_82 = arith.constant 0 : i32
      %dma_start3A_83 = tpu.memref_slice %arg6[%dma_start3A_81, %dma_start3A_82] : memref<2x80xi32, #tpu.memory_space<vmem>> -> memref<1x80xi32, #tpu.memory_space<vmem>>
      %dma_start3A_84 = tpu.memref_squeeze %dma_start3A_83 : memref<1x80xi32, #tpu.memory_space<vmem>> -> memref<80xi32, #tpu.memory_space<vmem>>
      %dma_start3A_85 = arith.constant 0 : i32
      %dma_start3A_86 = arith.constant 0 : i32
      %dma_start3A_87 = tpu.memref_slice %arg2[%dma_start3A_85, %dma_start3A_86] : memref<10000x128xf32, #tpu.memory_space<hbm>> -> memref<10000x128xf32, #tpu.memory_space<hbm>>
      tpu.enqueue_indirect_dma source(%dma_start3A_87 : memref<10000x128xf32, #tpu.memory_space<hbm>>) target(%arg8 : memref<80x128xf32, #tpu.memory_space<vmem>>) offsets(%dma_start3A_84 : memref<80xi32, #tpu.memory_space<vmem>>) semaphore(%arg12 : memref<!tpu.dma_semaphore, #tpu.memory_space<semaphore_mem>>)
      %dma_wait3A_88 = arith.constant 1 : i32
      %dma_wait3A_89 = arith.constant 0 : i32
      %dma_wait3A_90 = tpu.memref_slice %arg6[%dma_wait3A_88, %dma_wait3A_89] : memref<2x80xi32, #tpu.memory_space<vmem>> -> memref<1x80xi32, #tpu.memory_space<vmem>>
      %dma_wait3A_91 = tpu.memref_squeeze %dma_wait3A_90 : memref<1x80xi32, #tpu.memory_space<vmem>> -> memref<80xi32, #tpu.memory_space<vmem>>
      %dma_wait3A_92 = arith.constant 0 : i32
      %dma_wait3A_93 = arith.constant 0 : i32
      %dma_wait3A_94 = tpu.memref_slice %arg2[%dma_wait3A_92, %dma_wait3A_93] : memref<10000x128xf32, #tpu.memory_space<hbm>> -> memref<10000x128xf32, #tpu.memory_space<hbm>>
      tpu.wait_indirect_dma semaphore(%arg13 : memref<!tpu.dma_semaphore, #tpu.memory_space<semaphore_mem>>) src(%dma_wait3A_94 : memref<10000x128xf32, #tpu.memory_space<hbm>>) dst(%arg9 : memref<80x128xf32, #tpu.memory_space<vmem>>)
      %run_scoped3A_95 = arith.constant 1 : i32
      "tpu.region"() ({
        %run_scoped3A_96 = tpu.sem_alloc : memref<!tpu.dma_semaphore, #tpu.memory_space<semaphore_mem>>
        %dma_start3A_97 = arith.constant 0 : i32
        %dma_start3A_98 = tpu.memref_slice %arg7[%run_scoped3A_95, %dma_start3A_97] : memref<2x80xi32, #tpu.memory_space<vmem>> -> memref<1x80xi32, #tpu.memory_space<vmem>>
        %dma_start3A_99 = tpu.memref_squeeze %dma_start3A_98 : memref<1x80xi32, #tpu.memory_space<vmem>> -> memref<80xi32, #tpu.memory_space<vmem>>
        %dma_start3A_100 = arith.constant 0 : i32
        %dma_start3A_101 = arith.constant 0 : i32
        %dma_start3A_102 = tpu.memref_slice %arg11[%dma_start3A_100, %dma_start3A_101] : memref<10240x128xf32, #tpu.memory_space<vmem_shared>> -> memref<10240x128xf32, #tpu.memory_space<vmem_shared>>
        tpu.enqueue_indirect_dma source(%arg9 : memref<80x128xf32, #tpu.memory_space<vmem>>) target(%dma_start3A_102 : memref<10240x128xf32, #tpu.memory_space<vmem_shared>>) offsets(%dma_start3A_99 : memref<80xi32, #tpu.memory_space<vmem>>) semaphore(%run_scoped3A_96 : memref<!tpu.dma_semaphore, #tpu.memory_space<semaphore_mem>>) {add = true}
        %dma_wait3A_103 = arith.constant 0 : i32
        %dma_wait3A_104 = tpu.memref_slice %arg7[%run_scoped3A_95, %dma_wait3A_103] : memref<2x80xi32, #tpu.memory_space<vmem>> -> memref<1x80xi32, #tpu.memory_space<vmem>>
        %dma_wait3A_105 = tpu.memref_squeeze %dma_wait3A_104 : memref<1x80xi32, #tpu.memory_space<vmem>> -> memref<80xi32, #tpu.memory_space<vmem>>
        %dma_wait3A_106 = arith.constant 0 : i32
        %dma_wait3A_107 = arith.constant 0 : i32
        %dma_wait3A_108 = tpu.memref_slice %arg11[%dma_wait3A_106, %dma_wait3A_107] : memref<10240x128xf32, #tpu.memory_space<vmem_shared>> -> memref<10240x128xf32, #tpu.memory_space<vmem_shared>>
        tpu.wait_indirect_dma semaphore(%run_scoped3A_96 : memref<!tpu.dma_semaphore, #tpu.memory_space<semaphore_mem>>) src(%arg9 : memref<80x128xf32, #tpu.memory_space<vmem>>) dst(%dma_wait3A_108 : memref<10240x128xf32, #tpu.memory_space<vmem_shared>>)
        tpu.yield
      }) : () -> ()
    }
    %scan3A_23 = arith.constant 62 : i32
    %dma_wait3A = arith.constant 0 : i32
    %dma_wait3A_24 = arith.constant 0 : i32
    %dma_wait3A_25 = tpu.memref_slice %arg6[%dma_wait3A, %dma_wait3A_24] : memref<2x80xi32, #tpu.memory_space<vmem>> -> memref<1x80xi32, #tpu.memory_space<vmem>>
    %dma_wait3A_26 = tpu.memref_squeeze %dma_wait3A_25 : memref<1x80xi32, #tpu.memory_space<vmem>> -> memref<80xi32, #tpu.memory_space<vmem>>
    %dma_wait3A_27 = arith.constant 0 : i32
    %dma_wait3A_28 = arith.constant 0 : i32
    %dma_wait3A_29 = tpu.memref_slice %arg2[%dma_wait3A_27, %dma_wait3A_28] : memref<10000x128xf32, #tpu.memory_space<hbm>> -> memref<10000x128xf32, #tpu.memory_space<hbm>>
    tpu.wait_indirect_dma semaphore(%arg12 : memref<!tpu.dma_semaphore, #tpu.memory_space<semaphore_mem>>) src(%dma_wait3A_29 : memref<10000x128xf32, #tpu.memory_space<hbm>>) dst(%arg8 : memref<80x128xf32, #tpu.memory_space<vmem>>)
    %run_scoped3A_30 = arith.constant 0 : i32
    "tpu.region"() ({
      %run_scoped3A_37 = tpu.sem_alloc : memref<!tpu.dma_semaphore, #tpu.memory_space<semaphore_mem>>
      %dma_start3A_38 = arith.constant 0 : i32
      %dma_start3A_39 = tpu.memref_slice %arg7[%run_scoped3A_30, %dma_start3A_38] : memref<2x80xi32, #tpu.memory_space<vmem>> -> memref<1x80xi32, #tpu.memory_space<vmem>>
      %dma_start3A_40 = tpu.memref_squeeze %dma_start3A_39 : memref<1x80xi32, #tpu.memory_space<vmem>> -> memref<80xi32, #tpu.memory_space<vmem>>
      %dma_start3A_41 = arith.constant 0 : i32
      %dma_start3A_42 = arith.constant 0 : i32
      %dma_start3A_43 = tpu.memref_slice %arg11[%dma_start3A_41, %dma_start3A_42] : memref<10240x128xf32, #tpu.memory_space<vmem_shared>> -> memref<10240x128xf32, #tpu.memory_space<vmem_shared>>
      tpu.enqueue_indirect_dma source(%arg8 : memref<80x128xf32, #tpu.memory_space<vmem>>) target(%dma_start3A_43 : memref<10240x128xf32, #tpu.memory_space<vmem_shared>>) offsets(%dma_start3A_40 : memref<80xi32, #tpu.memory_space<vmem>>) semaphore(%run_scoped3A_37 : memref<!tpu.dma_semaphore, #tpu.memory_space<semaphore_mem>>) {add = true}
      %dma_wait3A_44 = arith.constant 0 : i32
      %dma_wait3A_45 = tpu.memref_slice %arg7[%run_scoped3A_30, %dma_wait3A_44] : memref<2x80xi32, #tpu.memory_space<vmem>> -> memref<1x80xi32, #tpu.memory_space<vmem>>
      %dma_wait3A_46 = tpu.memref_squeeze %dma_wait3A_45 : memref<1x80xi32, #tpu.memory_space<vmem>> -> memref<80xi32, #tpu.memory_space<vmem>>
      %dma_wait3A_47 = arith.constant 0 : i32
      %dma_wait3A_48 = arith.constant 0 : i32
      %dma_wait3A_49 = tpu.memref_slice %arg11[%dma_wait3A_47, %dma_wait3A_48] : memref<10240x128xf32, #tpu.memory_space<vmem_shared>> -> memref<10240x128xf32, #tpu.memory_space<vmem_shared>>
      tpu.wait_indirect_dma semaphore(%run_scoped3A_37 : memref<!tpu.dma_semaphore, #tpu.memory_space<semaphore_mem>>) src(%arg8 : memref<80x128xf32, #tpu.memory_space<vmem>>) dst(%dma_wait3A_49 : memref<10240x128xf32, #tpu.memory_space<vmem_shared>>)
      tpu.yield
    }) : () -> ()
    %barrier3A_31 = arith.constant 0 : index
    tpu.barrier barrier_id(%barrier3A_31)
    %scan3A_32 = arith.constant 0 : i32
    %scan3A_33 = arith.constant 5 : i32
    %scan3A_34 = arith.addi %scan3A_32, %scan3A_33 : i32
    %scan3A_35 = arith.constant 1 : i32
    scf.for %scan3A_37 = %scan3A_32 to %scan3A_34 step %scan3A_35  : i32 {
      %mul3A_38 = arith.constant 1 : i32
      %mul3A_39 = arith.muli %scan3A_37, %mul3A_38 : i32
      %add3A_40 = arith.constant 0 : i32
      %add3A_41 = arith.addi %add3A_40, %mul3A_39 : i32
      %mul3A_42 = arith.constant 640 : i32
      %mul3A_43 = arith.muli %arg1, %mul3A_42 : i32
      %mul3A_44 = arith.constant 128 : i32
      %mul3A_45 = arith.muli %add3A_41, %mul3A_44 : i32
      %add3A_46 = arith.addi %mul3A_43, %mul3A_45 : i32
      "tpu.region"() ({
        %run_scoped3A_52 = tpu.sem_alloc : memref<!tpu.dma_semaphore, #tpu.memory_space<semaphore_mem>>
        %dma_start3A_53 = arith.constant 0 : i32
        %dma_start3A_54 = tpu.memref_slice %arg11[%add3A_46, %dma_start3A_53] : memref<10240x128xf32, #tpu.memory_space<vmem_shared>> -> memref<128x128xf32, #tpu.memory_space<vmem_shared>>
        %dma_start3A_55 = arith.constant 0 : i32
        %dma_start3A_56 = tpu.memref_slice %arg11[%add3A_46, %dma_start3A_55] : memref<10240x128xf32, #tpu.memory_space<vmem_shared>> -> memref<128x128xf32, #tpu.memory_space<vmem_shared>>
        tpu.enqueue_dma source(%dma_start3A_56 : memref<128x128xf32, #tpu.memory_space<vmem_shared>>) target(%arg10 : memref<128x128xf32, #tpu.memory_space<vmem>>) target_semaphore(%run_scoped3A_52 : memref<!tpu.dma_semaphore, #tpu.memory_space<semaphore_mem>>)
        %dma_wait3A_57 = arith.constant 0 : i32
        %dma_wait3A_58 = tpu.memref_slice %arg11[%add3A_46, %dma_wait3A_57] : memref<10240x128xf32, #tpu.memory_space<vmem_shared>> -> memref<128x128xf32, #tpu.memory_space<vmem_shared>>
        %dma_wait3A_59 = arith.constant 0 : i32
        %dma_wait3A_60 = tpu.memref_slice %arg11[%add3A_46, %dma_wait3A_59] : memref<10240x128xf32, #tpu.memory_space<vmem_shared>> -> memref<128x128xf32, #tpu.memory_space<vmem_shared>>
        tpu.wait_dma2 semaphore(%run_scoped3A_52 : memref<!tpu.dma_semaphore, #tpu.memory_space<semaphore_mem>>) src(%dma_wait3A_60 : memref<128x128xf32, #tpu.memory_space<vmem_shared>>) dst(%arg10 : memref<128x128xf32, #tpu.memory_space<vmem>>)
        tpu.yield
      }) : () -> ()
      %mul3A_47 = arith.constant 640 : i32
      %mul3A_48 = arith.muli %arg1, %mul3A_47 : i32
      %mul3A_49 = arith.constant 128 : i32
      %mul3A_50 = arith.muli %add3A_41, %mul3A_49 : i32
      %add3A_51 = arith.addi %mul3A_48, %mul3A_50 : i32
      "tpu.region"() ({
        %run_scoped3A_52 = tpu.sem_alloc : memref<!tpu.dma_semaphore, #tpu.memory_space<semaphore_mem>>
        %dma_start3A_53 = arith.constant 0 : i32
        %dma_start3A_54 = tpu.memref_slice %arg5[%arg0, %add3A_51, %dma_start3A_53] : memref<2x10240x128xf32, #tpu.memory_space<hbm>> -> memref<1x128x128xf32, #tpu.memory_space<hbm>>
        %dma_start3A_55 = tpu.memref_squeeze %dma_start3A_54 : memref<1x128x128xf32, #tpu.memory_space<hbm>> -> memref<128x128xf32, #tpu.memory_space<hbm>>
        %dma_start3A_56 = arith.constant 0 : i32
        %dma_start3A_57 = tpu.memref_slice %arg5[%arg0, %add3A_51, %dma_start3A_56] : memref<2x10240x128xf32, #tpu.memory_space<hbm>> -> memref<1x128x128xf32, #tpu.memory_space<hbm>>
        %dma_start3A_58 = tpu.memref_squeeze %dma_start3A_57 : memref<1x128x128xf32, #tpu.memory_space<hbm>> -> memref<128x128xf32, #tpu.memory_space<hbm>>
        tpu.enqueue_dma source(%arg10 : memref<128x128xf32, #tpu.memory_space<vmem>>) target(%dma_start3A_58 : memref<128x128xf32, #tpu.memory_space<hbm>>) target_semaphore(%run_scoped3A_52 : memref<!tpu.dma_semaphore, #tpu.memory_space<semaphore_mem>>)
        %dma_wait3A_59 = arith.constant 0 : i32
        %dma_wait3A_60 = tpu.memref_slice %arg5[%arg0, %add3A_51, %dma_wait3A_59] : memref<2x10240x128xf32, #tpu.memory_space<hbm>> -> memref<1x128x128xf32, #tpu.memory_space<hbm>>
        %dma_wait3A_61 = tpu.memref_squeeze %dma_wait3A_60 : memref<1x128x128xf32, #tpu.memory_space<hbm>> -> memref<128x128xf32, #tpu.memory_space<hbm>>
        %dma_wait3A_62 = arith.constant 0 : i32
        %dma_wait3A_63 = tpu.memref_slice %arg5[%arg0, %add3A_51, %dma_wait3A_62] : memref<2x10240x128xf32, #tpu.memory_space<hbm>> -> memref<1x128x128xf32, #tpu.memory_space<hbm>>
        %dma_wait3A_64 = tpu.memref_squeeze %dma_wait3A_63 : memref<1x128x128xf32, #tpu.memory_space<hbm>> -> memref<128x128xf32, #tpu.memory_space<hbm>>
        tpu.wait_dma2 semaphore(%run_scoped3A_52 : memref<!tpu.dma_semaphore, #tpu.memory_space<semaphore_mem>>) src(%arg10 : memref<128x128xf32, #tpu.memory_space<vmem>>) dst(%dma_wait3A_64 : memref<128x128xf32, #tpu.memory_space<hbm>>)
        tpu.yield
      }) : () -> ()
    }
    %scan3A_36 = arith.constant 5 : i32
    return
  }
}

module attributes {stable_mosaic.version = 14 : i64} {
  func.func @body(%arg0: i32, %arg1: memref<1000x128xf32, #tpu.memory_space<vmem>>, %arg2: memref<128x128xf32, #tpu.memory_space<vmem>>, %arg3: memref<1000x32xf32, #tpu.memory_space<vmem>>, %arg4: memref<1000x128xf32, #tpu.memory_space<vmem>>) attributes {dimension_semantics = [#tpu.dimension_semantics<arbitrary>], iteration_bounds = array<i64: 10>, scalar_prefetch = 0 : i64, scratch_operands = 0 : i64, tpu.core_type = #tpu.core_type<tc>, window_params = [{transform_indices = @transform_0, window_bounds = array<i64: 1000, 128>}, {pipeline_mode = #tpu.pipeline_mode<synchronous>, transform_indices = @transform_1, window_bounds = array<i64: 128, 128>}, {transform_indices = @transform_2, window_bounds = array<i64: 1000, 32>}, {transform_indices = @transform_3, window_bounds = array<i64: 1000, 128>}]} {
    %broadcast_in_dim3A = arith.constant 1.000000e+00 : f32
    %broadcast_in_dim3A_0 = vector.broadcast %broadcast_in_dim3A : f32 to vector<32x1xf32>
    %get3A = arith.constant 0 : index
    %get3A_1 = arith.constant 0 : index
    %get3A_2 = vector.load %arg3[%get3A, %get3A_1] : memref<1000x32xf32, #tpu.memory_space<vmem>>, vector<1000x32xf32>
    %dot_general3A = arith.constant dense<0.000000e+00> : vector<1000x1xf32>
    %dot_general3A_3 = tpu.matmul %get3A_2, %broadcast_in_dim3A_0, %dot_general3A {dimension_numbers = #tpu.dot_dimension_numbers<[1], [0], [0], [1], [0, 0, 1, 1], [], []>, transpose_lhs_hint = false} : vector<1000x32xf32>, vector<32x1xf32>, vector<1000x1xf32> -> vector<1000x1xf32>
    %add3A = arith.constant 1.000000e+00 : f32
    %add3A_4 = vector.broadcast %add3A : f32 to vector<1000x1xf32>
    %add3A_5 = arith.addf %dot_general3A_3, %add3A_4 : vector<1000x1xf32>
    %rsqrt3A = math.rsqrt %add3A_5 : vector<1000x1xf32>
    %get3A_6 = arith.constant 0 : index
    %get3A_7 = arith.constant 0 : index
    %get3A_8 = vector.load %arg1[%get3A_6, %get3A_7] : memref<1000x128xf32, #tpu.memory_space<vmem>>, vector<1000x128xf32>
    %get3A_9 = arith.constant 0 : index
    %get3A_10 = arith.constant 0 : index
    %get3A_11 = vector.load %arg2[%get3A_9, %get3A_10] : memref<128x128xf32, #tpu.memory_space<vmem>>, vector<128x128xf32>
    %dot_general3A_12 = arith.constant dense<0.000000e+00> : vector<1000x128xf32>
    %dot_general3A_13 = tpu.matmul %get3A_8, %get3A_11, %dot_general3A_12 {dimension_numbers = #tpu.dot_dimension_numbers<[1], [0], [0], [1], [0, 0, 1, 1], [], []>, transpose_lhs_hint = false} : vector<1000x128xf32>, vector<128x128xf32>, vector<1000x128xf32> -> vector<1000x128xf32>
    %mul3A = vector.broadcast %rsqrt3A : vector<1000x1xf32> to vector<1000x128xf32>
    %mul3A_14 = arith.mulf %mul3A, %dot_general3A_13 : vector<1000x128xf32>
    %swap3A = arith.constant 0 : index
    %swap3A_15 = arith.constant 0 : index
    %swap3A_16 = vector.load %arg4[%swap3A, %swap3A_15] : memref<1000x128xf32, #tpu.memory_space<vmem>>, vector<1000x128xf32>
    tpu.vector_store %arg4[%swap3A, %swap3A_15], %mul3A_14 {strides = array<i32>} : memref<1000x128xf32, #tpu.memory_space<vmem>>, vector<1000x128xf32>,
    return
  }
  func.func @transform_0(%arg0: i32) -> (i32, i32) {
    %c0_i32 = arith.constant 0 : i32
    %c0_i32_0 = arith.constant 0 : i32
    return %arg0, %c0_i32 : i32, i32
  }
  func.func @transform_1(%arg0: i32) -> (i32, i32) {
    %c0_i32 = arith.constant 0 : i32
    %c0_i32_0 = arith.constant 0 : i32
    %c0_i32_1 = arith.constant 0 : i32
    return %c0_i32, %c0_i32_0 : i32, i32
  }
  func.func @transform_2(%arg0: i32) -> (i32, i32) {
    %c0_i32 = arith.constant 0 : i32
    %c0_i32_0 = arith.constant 0 : i32
    return %arg0, %c0_i32 : i32, i32
  }
  func.func @transform_3(%arg0: i32) -> (i32, i32) {
    %c0_i32 = arith.constant 0 : i32
    %c0_i32_0 = arith.constant 0 : i32
    return %arg0, %c0_i32 : i32, i32
  }
}

module attributes {stable_mosaic.version = 14 : i64} {
  func.func @body(%arg0: i32, %arg1: memref<2x1000x128xf32, #tpu.memory_space<vmem>>, %arg2: memref<1000x128xf32, #tpu.memory_space<vmem>>, %arg3: memref<1000x32xf32, #tpu.memory_space<vmem>>, %arg4: memref<128x128xf32, #tpu.memory_space<vmem>>, %arg5: memref<1x128xf32, #tpu.memory_space<vmem>>, %arg6: memref<1000x128xf32, #tpu.memory_space<vmem>>) attributes {dimension_semantics = [#tpu.dimension_semantics<arbitrary>], iteration_bounds = array<i64: 10>, scalar_prefetch = 0 : i64, scratch_operands = 0 : i64, tpu.core_type = #tpu.core_type<tc>, window_params = [{transform_indices = @transform_0, window_bounds = array<i64: 2, 1000, 128>}, {transform_indices = @transform_1, window_bounds = array<i64: 1000, 128>}, {transform_indices = @transform_2, window_bounds = array<i64: 1000, 32>}, {pipeline_mode = #tpu.pipeline_mode<synchronous>, transform_indices = @transform_3, window_bounds = array<i64: 128, 128>}, {pipeline_mode = #tpu.pipeline_mode<synchronous>, transform_indices = @transform_4, window_bounds = array<i64: 1, 128>}, {transform_indices = @transform_5, window_bounds = array<i64: 1000, 128>}]} {
    %broadcast_in_dim3A = arith.constant 1.000000e+00 : f32
    %broadcast_in_dim3A_0 = vector.broadcast %broadcast_in_dim3A : f32 to vector<32x1xf32>
    %get3A = arith.constant 0 : index
    %get3A_1 = arith.constant 0 : index
    %get3A_2 = vector.load %arg3[%get3A, %get3A_1] : memref<1000x32xf32, #tpu.memory_space<vmem>>, vector<1000x32xf32>
    %dot_general3A = arith.constant dense<0.000000e+00> : vector<1000x1xf32>
    %dot_general3A_3 = tpu.matmul %get3A_2, %broadcast_in_dim3A_0, %dot_general3A {dimension_numbers = #tpu.dot_dimension_numbers<[1], [0], [0], [1], [0, 0, 1, 1], [], []>, transpose_lhs_hint = false} : vector<1000x32xf32>, vector<32x1xf32>, vector<1000x1xf32> -> vector<1000x1xf32>
    %add3A = arith.constant 1.000000e+00 : f32
    %add3A_4 = vector.broadcast %add3A : f32 to vector<1000x1xf32>
    %add3A_5 = arith.addf %dot_general3A_3, %add3A_4 : vector<1000x1xf32>
    %rsqrt3A = math.rsqrt %add3A_5 : vector<1000x1xf32>
    %get3A_6 = arith.constant 0 : index
    %get3A_7 = arith.constant 0 : index
    %get3A_8 = arith.constant 0 : index
    %get3A_9 = vector.load %arg1[%get3A_6, %get3A_7, %get3A_8] : memref<2x1000x128xf32, #tpu.memory_space<vmem>>, vector<1x1000x128xf32>
    %get3A_10 = vector.shape_cast %get3A_9 : vector<1x1000x128xf32> to vector<1000x128xf32>
    %get3A_11 = arith.constant 1 : index
    %get3A_12 = arith.constant 0 : index
    %get3A_13 = arith.constant 0 : index
    %get3A_14 = vector.load %arg1[%get3A_11, %get3A_12, %get3A_13] : memref<2x1000x128xf32, #tpu.memory_space<vmem>>, vector<1x1000x128xf32>
    %get3A_15 = vector.shape_cast %get3A_14 : vector<1x1000x128xf32> to vector<1000x128xf32>
    %add3A_16 = arith.addf %get3A_10, %get3A_15 : vector<1000x128xf32>
    %get3A_17 = arith.constant 0 : index
    %get3A_18 = arith.constant 0 : index
    %get3A_19 = vector.load %arg2[%get3A_17, %get3A_18] : memref<1000x128xf32, #tpu.memory_space<vmem>>, vector<1000x128xf32>
    %add3A_20 = arith.addf %add3A_16, %get3A_19 : vector<1000x128xf32>
    %mul3A = vector.broadcast %rsqrt3A : vector<1000x1xf32> to vector<1000x128xf32>
    %mul3A_21 = arith.mulf %mul3A, %add3A_20 : vector<1000x128xf32>
    %get3A_22 = arith.constant 0 : index
    %get3A_23 = arith.constant 0 : index
    %get3A_24 = vector.load %arg5[%get3A_22, %get3A_23] : memref<1x128xf32, #tpu.memory_space<vmem>>, vector<1x128xf32>
    %add3A_25 = vector.broadcast %get3A_24 : vector<1x128xf32> to vector<1000x128xf32>
    %add3A_26 = arith.addf %mul3A_21, %add3A_25 : vector<1000x128xf32>
    %max3A = arith.constant 0.000000e+00 : f32
    %max3A_27 = vector.broadcast %max3A : f32 to vector<1000x128xf32>
    %max3A_28 = arith.maximumf %add3A_26, %max3A_27 : vector<1000x128xf32>
    %get3A_29 = arith.constant 0 : index
    %get3A_30 = arith.constant 0 : index
    %get3A_31 = vector.load %arg4[%get3A_29, %get3A_30] : memref<128x128xf32, #tpu.memory_space<vmem>>, vector<128x128xf32>
    %dot_general3A_32 = arith.constant dense<0.000000e+00> : vector<1000x128xf32>
    %dot_general3A_33 = tpu.matmul %max3A_28, %get3A_31, %dot_general3A_32 {dimension_numbers = #tpu.dot_dimension_numbers<[1], [0], [0], [1], [0, 0, 1, 1], [], []>, transpose_lhs_hint = false} : vector<1000x128xf32>, vector<128x128xf32>, vector<1000x128xf32> -> vector<1000x128xf32>
    %mul3A_34 = vector.broadcast %rsqrt3A : vector<1000x1xf32> to vector<1000x128xf32>
    %mul3A_35 = arith.mulf %mul3A_34, %dot_general3A_33 : vector<1000x128xf32>
    %swap3A = arith.constant 0 : index
    %swap3A_36 = arith.constant 0 : index
    %swap3A_37 = vector.load %arg6[%swap3A, %swap3A_36] : memref<1000x128xf32, #tpu.memory_space<vmem>>, vector<1000x128xf32>
    tpu.vector_store %arg6[%swap3A, %swap3A_36], %mul3A_35 {strides = array<i32>} : memref<1000x128xf32, #tpu.memory_space<vmem>>, vector<1000x128xf32>,
    return
  }
  func.func @transform_0(%arg0: i32) -> (i32, i32, i32) {
    %c0_i32 = arith.constant 0 : i32
    %c0_i32_0 = arith.constant 0 : i32
    %c0_i32_1 = arith.constant 0 : i32
    return %c0_i32, %arg0, %c0_i32_0 : i32, i32, i32
  }
  func.func @transform_1(%arg0: i32) -> (i32, i32) {
    %c0_i32 = arith.constant 0 : i32
    %c0_i32_0 = arith.constant 0 : i32
    return %arg0, %c0_i32 : i32, i32
  }
  func.func @transform_2(%arg0: i32) -> (i32, i32) {
    %c0_i32 = arith.constant 0 : i32
    %c0_i32_0 = arith.constant 0 : i32
    return %arg0, %c0_i32 : i32, i32
  }
  func.func @transform_3(%arg0: i32) -> (i32, i32) {
    %c0_i32 = arith.constant 0 : i32
    %c0_i32_0 = arith.constant 0 : i32
    %c0_i32_1 = arith.constant 0 : i32
    return %c0_i32, %c0_i32_0 : i32, i32
  }
  func.func @transform_4(%arg0: i32) -> (i32, i32) {
    %c0_i32 = arith.constant 0 : i32
    %c0_i32_0 = arith.constant 0 : i32
    %c0_i32_1 = arith.constant 0 : i32
    return %c0_i32, %c0_i32_0 : i32, i32
  }
  func.func @transform_5(%arg0: i32) -> (i32, i32) {
    %c0_i32 = arith.constant 0 : i32
    %c0_i32_0 = arith.constant 0 : i32
    return %arg0, %c0_i32 : i32, i32
  }
}

module attributes {stable_mosaic.version = 14 : i64} {
  func.func @body(%arg0: i32, %arg1: memref<2x1000x128xf32, #tpu.memory_space<vmem>>, %arg2: memref<1000x128xf32, #tpu.memory_space<vmem>>, %arg3: memref<1000x32xf32, #tpu.memory_space<vmem>>, %arg4: memref<128x2xf32, #tpu.memory_space<vmem>>, %arg5: memref<1x128xf32, #tpu.memory_space<vmem>>, %arg6: memref<1x2xf32, #tpu.memory_space<vmem>>, %arg7: memref<1000x2xf32, #tpu.memory_space<vmem>>) attributes {dimension_semantics = [#tpu.dimension_semantics<arbitrary>], iteration_bounds = array<i64: 10>, scalar_prefetch = 0 : i64, scratch_operands = 0 : i64, tpu.core_type = #tpu.core_type<tc>, window_params = [{transform_indices = @transform_0, window_bounds = array<i64: 2, 1000, 128>}, {transform_indices = @transform_1, window_bounds = array<i64: 1000, 128>}, {transform_indices = @transform_2, window_bounds = array<i64: 1000, 32>}, {pipeline_mode = #tpu.pipeline_mode<synchronous>, transform_indices = @transform_3, window_bounds = array<i64: 128, 2>}, {pipeline_mode = #tpu.pipeline_mode<synchronous>, transform_indices = @transform_4, window_bounds = array<i64: 1, 128>}, {pipeline_mode = #tpu.pipeline_mode<synchronous>, transform_indices = @transform_5, window_bounds = array<i64: 1, 2>}, {transform_indices = @transform_6, window_bounds = array<i64: 1000, 2>}]} {
    %broadcast_in_dim3A = arith.constant 1.000000e+00 : f32
    %broadcast_in_dim3A_0 = vector.broadcast %broadcast_in_dim3A : f32 to vector<32x1xf32>
    %get3A = arith.constant 0 : index
    %get3A_1 = arith.constant 0 : index
    %get3A_2 = vector.load %arg3[%get3A, %get3A_1] : memref<1000x32xf32, #tpu.memory_space<vmem>>, vector<1000x32xf32>
    %dot_general3A = arith.constant dense<0.000000e+00> : vector<1000x1xf32>
    %dot_general3A_3 = tpu.matmul %get3A_2, %broadcast_in_dim3A_0, %dot_general3A {dimension_numbers = #tpu.dot_dimension_numbers<[1], [0], [0], [1], [0, 0, 1, 1], [], []>, transpose_lhs_hint = false} : vector<1000x32xf32>, vector<32x1xf32>, vector<1000x1xf32> -> vector<1000x1xf32>
    %add3A = arith.constant 1.000000e+00 : f32
    %add3A_4 = vector.broadcast %add3A : f32 to vector<1000x1xf32>
    %add3A_5 = arith.addf %dot_general3A_3, %add3A_4 : vector<1000x1xf32>
    %rsqrt3A = math.rsqrt %add3A_5 : vector<1000x1xf32>
    %get3A_6 = arith.constant 0 : index
    %get3A_7 = arith.constant 0 : index
    %get3A_8 = arith.constant 0 : index
    %get3A_9 = vector.load %arg1[%get3A_6, %get3A_7, %get3A_8] : memref<2x1000x128xf32, #tpu.memory_space<vmem>>, vector<1x1000x128xf32>
    %get3A_10 = vector.shape_cast %get3A_9 : vector<1x1000x128xf32> to vector<1000x128xf32>
    %get3A_11 = arith.constant 1 : index
    %get3A_12 = arith.constant 0 : index
    %get3A_13 = arith.constant 0 : index
    %get3A_14 = vector.load %arg1[%get3A_11, %get3A_12, %get3A_13] : memref<2x1000x128xf32, #tpu.memory_space<vmem>>, vector<1x1000x128xf32>
    %get3A_15 = vector.shape_cast %get3A_14 : vector<1x1000x128xf32> to vector<1000x128xf32>
    %add3A_16 = arith.addf %get3A_10, %get3A_15 : vector<1000x128xf32>
    %get3A_17 = arith.constant 0 : index
    %get3A_18 = arith.constant 0 : index
    %get3A_19 = vector.load %arg2[%get3A_17, %get3A_18] : memref<1000x128xf32, #tpu.memory_space<vmem>>, vector<1000x128xf32>
    %add3A_20 = arith.addf %add3A_16, %get3A_19 : vector<1000x128xf32>
    %mul3A = vector.broadcast %rsqrt3A : vector<1000x1xf32> to vector<1000x128xf32>
    %mul3A_21 = arith.mulf %mul3A, %add3A_20 : vector<1000x128xf32>
    %get3A_22 = arith.constant 0 : index
    %get3A_23 = arith.constant 0 : index
    %get3A_24 = vector.load %arg5[%get3A_22, %get3A_23] : memref<1x128xf32, #tpu.memory_space<vmem>>, vector<1x128xf32>
    %add3A_25 = vector.broadcast %get3A_24 : vector<1x128xf32> to vector<1000x128xf32>
    %add3A_26 = arith.addf %mul3A_21, %add3A_25 : vector<1000x128xf32>
    %max3A = arith.constant 0.000000e+00 : f32
    %max3A_27 = vector.broadcast %max3A : f32 to vector<1000x128xf32>
    %max3A_28 = arith.maximumf %add3A_26, %max3A_27 : vector<1000x128xf32>
    %get3A_29 = arith.constant 0 : index
    %get3A_30 = arith.constant 0 : index
    %get3A_31 = vector.load %arg4[%get3A_29, %get3A_30] : memref<128x2xf32, #tpu.memory_space<vmem>>, vector<128x2xf32>
    %dot_general3A_32 = arith.constant dense<0.000000e+00> : vector<1000x2xf32>
    %dot_general3A_33 = tpu.matmul %max3A_28, %get3A_31, %dot_general3A_32 {dimension_numbers = #tpu.dot_dimension_numbers<[1], [0], [0], [1], [0, 0, 1, 1], [], []>, transpose_lhs_hint = false} : vector<1000x128xf32>, vector<128x2xf32>, vector<1000x2xf32> -> vector<1000x2xf32>
    %get3A_34 = arith.constant 0 : index
    %get3A_35 = arith.constant 0 : index
    %get3A_36 = vector.load %arg6[%get3A_34, %get3A_35] : memref<1x2xf32, #tpu.memory_space<vmem>>, vector<1x2xf32>
    %add3A_37 = vector.broadcast %get3A_36 : vector<1x2xf32> to vector<1000x2xf32>
    %add3A_38 = arith.addf %dot_general3A_33, %add3A_37 : vector<1000x2xf32>
    %swap3A = arith.constant 0 : index
    %swap3A_39 = arith.constant 0 : index
    %swap3A_40 = vector.load %arg7[%swap3A, %swap3A_39] : memref<1000x2xf32, #tpu.memory_space<vmem>>, vector<1000x2xf32>
    tpu.vector_store %arg7[%swap3A, %swap3A_39], %add3A_38 {strides = array<i32>} : memref<1000x2xf32, #tpu.memory_space<vmem>>, vector<1000x2xf32>,
    return
  }
  func.func @transform_0(%arg0: i32) -> (i32, i32, i32) {
    %c0_i32 = arith.constant 0 : i32
    %c0_i32_0 = arith.constant 0 : i32
    %c0_i32_1 = arith.constant 0 : i32
    return %c0_i32, %arg0, %c0_i32_0 : i32, i32, i32
  }
  func.func @transform_1(%arg0: i32) -> (i32, i32) {
    %c0_i32 = arith.constant 0 : i32
    %c0_i32_0 = arith.constant 0 : i32
    return %arg0, %c0_i32 : i32, i32
  }
  func.func @transform_2(%arg0: i32) -> (i32, i32) {
    %c0_i32 = arith.constant 0 : i32
    %c0_i32_0 = arith.constant 0 : i32
    return %arg0, %c0_i32 : i32, i32
  }
  func.func @transform_3(%arg0: i32) -> (i32, i32) {
    %c0_i32 = arith.constant 0 : i32
    %c0_i32_0 = arith.constant 0 : i32
    %c0_i32_1 = arith.constant 0 : i32
    return %c0_i32, %c0_i32_0 : i32, i32
  }
  func.func @transform_4(%arg0: i32) -> (i32, i32) {
    %c0_i32 = arith.constant 0 : i32
    %c0_i32_0 = arith.constant 0 : i32
    %c0_i32_1 = arith.constant 0 : i32
    return %c0_i32, %c0_i32_0 : i32, i32
  }
  func.func @transform_5(%arg0: i32) -> (i32, i32) {
    %c0_i32 = arith.constant 0 : i32
    %c0_i32_0 = arith.constant 0 : i32
    %c0_i32_1 = arith.constant 0 : i32
    return %c0_i32, %c0_i32_0 : i32, i32
  }
  func.func @transform_6(%arg0: i32) -> (i32, i32) {
    %c0_i32 = arith.constant 0 : i32
    %c0_i32_0 = arith.constant 0 : i32
    return %arg0, %c0_i32 : i32, i32
  }
}

</mosaic_0001>

<sc_bundles>
// kernel: kernel.11.cloned.1.call-start
scs
__scs_entry_jumppad:
0x0: {  	(pc) =	sbr.rel $0x88, $3  }
0x1: {  	(tag) =	ssettag $0x0;
	lr =	simm.s32 $0x1  }
0x2: {  	[smem:$0x3F99] =	sst lr;
	_ =	strace $0xD0000000  }
0x3: {  	_ = 	snop  }
0x4: {  	_ = 	snop  }
0x5: {  	_ = 	snop  }
0x6: {  	_ = 	snop  }
0x7: {  	_ = 	snop  }
__scs_overlays_trampoline_lowered:
0x8: {  	[smem:$0x3FA8] =	sst s0  }
0x9: {  	[smem:$0x3FA9] =	sst s1  }
0xa: {  	[smem:$0x3FAA] =	sst s2  }
0xb: {  	[smem:$0x3FAB] =	sst s3  }
0xc: {  	[smem:$0x3FAC] =	sst s4  }
0xd: {  	[smem:$0x3FAD] =	sst s5  }
0xe: {  	[smem:$0x3FAE] =	sst s6  }
0xf: {  	[smem:$0x3FAF] =	sst s7  }
0x10: {  	[smem:$0x3FB0] =	sst s8  }
0x11: {  	[smem:$0x3FB1] =	sst s9;
	s0 =	simm.s32 @!p0 $0x0  }
0x12: {  	s1 =	sld [smem:$0x3F97];
	s0 =	simm.s32 @p0 $0x1  }
0x13: {  	[smem:$0x3FB2] =	sst s0;
	s0 =	simm.s32 @!p1 $0x0  }
0x14: {  	s2 =	sld [smem:$0x3F96];
	s0 =	simm.s32 @p1 $0x1  }
0x15: {  	[smem:$0x3FB3] =	sst s0;
	s0 =	simm.s32 @!p2 $0x0  }
0x16: {  	s3 =	sld [smem:$0x3FDB];
	s0 =	simm.s32 @p2 $0x1  }
0x17: {  	s4 =	simm.s32 $0x1BF5;
	[smem:$0x3FB5] =	sst s0  }
0x18: {  	s0 =	sld [smem:$0x3F98];
	_ =	swait.ge [sflag:s4], $0x0  }
0x19: {  	s7 =	sld [smem:$0x3F99]  }
0x1a: {  	s8 =	sadd.s32 $0xFFFFE003, lr  }
0x1b: {  	s9 =	sadd.s32 $0xFFFFFEF7, lr;
	s5 =	simm.s32 $0xFFFFFFFF;
	p2 =	slt.u32 s8, $0xFFFFF086  }
0x1c: {  	p1 =	slt.u32 s9, $0xF7A;
	s5 =	simm.s32 @!p2 $0x0  }
0x1d: {  	s5 =	simm.s32 @p1 $0x1;
	p0 =	seq.s32 s7, s2  }
0x1e: {  	s7 =	smul.u32 @!p0 $0xF7A, s2;
	p2 =	seq.s32 @!p0 s5, $0x0  }
0x1f: {  	s9 =	smul.u32 $0xF7A, s1;
	s8 =	simm.s32 @!p0 $0x1BF5;
	p2 =	por !p2, p0  }
0x20: {  	[sflag:s8] =	ssyncset.s32 @!p0 $0xFFFFF086;
	s6 =	sadd.s32 @!p0 s3, s7;
	s7 =	simm.s32 @!p0 $0x108  }
0x21: {  	s3 =	sadd.s32 s3, s9;
	s6 =	sadd.s32 @!p0 $0x88, s6;
	s7 =	simm.s32 @p2 $0x1082  }
0x22: {  	[simem:s7], [sflag:s8] =	dma.local @!p0 [hbm:s6], $0xF7A  }
0x23: {  	s9 =	sor.u32 $0xD0000000, s2;
	s6 =	simm.s32 $0x108;
	_ =	swait.ge @!p0 [sflag:s8], $0x0  }
0x24: {  	s3 =	sadd.s32 $0x88, s3;
	s6 =	simm.s32 @!p1 $0x1082;
	[sflag:s4] =	ssyncset.s32 $0xFFFFF086  }
0x25: {  	[simem:s6], [sflag:s4] =	dma.local [hbm:s3], $0xF7A  }
0x26: {  	[smem:$0x3F99] =	sst s1;
	(tag) =	ssettag s2;
	_ =	strace s9  }
0x27: {  	s1 =	sld [smem:$0x3FA9]  }
0x28: {  	s2 =	sld [smem:$0x3FAA]  }
0x29: {  	s4 =	sld [smem:$0x3FAC]  }
0x2a: {  	p0 =	seq.s32 s5, $0x0;
	s5 =	sld [smem:$0x3FAD]  }
0x2b: {  	s6 =	sld [smem:$0x3FAE]  }
0x2c: {  	s7 =	sld [smem:$0x3FAF]  }
0x2d: {  	s3 =	simm.s32 $0x108;
	s8 =	sld [smem:$0x3FB0]  }
0x2e: {  	s3 =	simm.s32 @!p0 $0x1082;
	s9 =	sld [smem:$0x3FB1]  }
0x2f: {  	lr =	sadd.s32 s0, s3;
	s0 =	sld [smem:$0x3FA8]  }
0x30: {  	s3 =	sld [smem:$0x3FAB]  }
0x31: {  	[smem:$0x3FB4] =	sst s10  }
0x32: {  	s10 =	sld [smem:$0x3FB2];
	_ =	sdelay $0x3  }
0x33: {  	p0 =	seq.s32 s10, $0x1;
	s10 =	sld [smem:$0x3FB4];
	_ =	sdelay $0x3  }
0x34: {  	[smem:$0x3FB4] =	sst s10  }
0x35: {  	s10 =	sld [smem:$0x3FB3];
	_ =	sdelay $0x3  }
0x36: {  	p1 =	seq.s32 s10, $0x1;
	s10 =	sld [smem:$0x3FB4];
	_ =	sdelay $0x3  }
0x37: {  	[smem:$0x3FB4] =	sst s10  }
0x38: {  	s10 =	sld [smem:$0x3FB5]  }
0x39: {  	_ = 	snop;
	(pc) =	sbr.ind lr, $3  }
0x3a: {  	_ = 	snop  }
0x3b: {  	_ = 	snop  }
0x3c: {  	p2 =	seq.s32 s10, $0x1;
	s10 =	sld [smem:$0x3FB4]  }
0x3d: {  	_ =	shalt  }
0x3e: {  	_ =	shalt  }
0x3f: {  	_ =	shalt  }
0x40: {  	_ =	shalt  }
0x41: {  	_ =	shalt  }
0x42: {  	_ =	shalt  }
0x43: {  	_ =	shalt  }
0x44: {  	_ =	shalt  }
0x45: {  	_ =	shalt  }
0x46: {  	_ =	shalt  }
0x47: {  	_ =	shalt  }
0x48: {  	_ =	shalt  }
0x49: {  	_ =	shalt  }
0x4a: {  	_ =	shalt  }
0x4b: {  	_ =	shalt  }
0x4c: {  	_ =	shalt  }
0x4d: {  	_ =	shalt  }
0x4e: {  	_ =	shalt  }
0x4f: {  	_ =	shalt  }
0x50: {  	_ =	shalt  }
0x51: {  	_ =	shalt  }
0x52: {  	_ =	shalt  }
0x53: {  	_ =	shalt  }
0x54: {  	_ =	shalt  }
0x55: {  	_ =	shalt  }
0x56: {  	_ =	shalt  }
0x57: {  	_ =	shalt  }
0x58: {  	_ =	shalt  }
0x59: {  	_ =	shalt  }
0x5a: {  	_ =	shalt  }
0x5b: {  	_ =	shalt  }
0x5c: {  	_ =	shalt  }
0x5d: {  	_ =	shalt  }
0x5e: {  	_ =	shalt  }
0x5f: {  	_ =	shalt  }
0x60: {  	_ =	shalt  }
0x61: {  	_ =	shalt  }
0x62: {  	_ =	shalt  }
0x63: {  	_ =	shalt  }
0x64: {  	_ =	shalt  }
0x65: {  	_ =	shalt  }
0x66: {  	_ =	shalt  }
0x67: {  	_ =	shalt  }
0x68: {  	_ =	shalt  }
0x69: {  	_ =	shalt  }
0x6a: {  	_ =	shalt  }
0x6b: {  	_ =	shalt  }
0x6c: {  	_ =	shalt  }
0x6d: {  	_ =	shalt  }
0x6e: {  	_ =	shalt  }
0x6f: {  	_ =	shalt  }
0x70: {  	_ =	shalt  }
0x71: {  	_ =	shalt  }
0x72: {  	_ =	shalt  }
0x73: {  	_ =	shalt  }
0x74: {  	_ =	shalt  }
0x75: {  	_ =	shalt  }
0x76: {  	_ =	shalt  }
0x77: {  	_ =	shalt  }
0x78: {  	_ =	shalt  }
0x79: {  	_ =	shalt  }
0x7a: {  	_ =	shalt  }
0x7b: {  	_ =	shalt  }
0x7c: {  	_ =	shalt  }
0x7d: {  	_ =	shalt  }
0x7e: {  	_ =	shalt  }
0x7f: {  	_ =	shalt  }
0x80: {  	_ =	shalt  }
0x81: {  	_ =	shalt  }
0x82: {  	_ =	shalt  }
0x83: {  	_ =	shalt  }
0x84: {  	_ =	shalt  }
0x85: {  	_ =	shalt  }
0x86: {  	_ =	shalt  }
0x87: {  	_ =	shalt  }
.Lfunc_end0:
.L_simem_size_0:
called_computation.1_lowered:
.L_overlay_start_0:
0x88: {  	s2 =	sld [smem:$0x3FD9]  }
0x89: {  	s3 =	sld [smem:$0x3FFE];
	_ =	sdelay $0x1  }
0x8a: {  	s1 =	srdreg.scid  }
0x8b: {  	s0 =	sand.u32 $0x1, s1  }
0x8c: {  	s16 =	sshll.u32 s0, $0xA;
	s2 =	sadd.s32 s3, s2  }
0x8d: {  	s2 =	sadd.s32 s2, s16  }
0x8e: {  	[smem:$0x3FC0] =	sst s2  }
0x8f: {  	_ = 	snop  }
0x90: {  	(tm) =	ssettm $0x1  }
0x91: {  	s17 =	sld [smem:$0x3FFB];
	_ =	sdelay $0x3  }
0x92: {  	_ =	strace s17  }
0x93: {  	s2 =	sld [smem:$0x3FFC];
	_ =	sdelay $0x3  }
0x94: {  	_ =	strace s2  }
0x95: {  	s2 =	sld [smem:$0x3FFD];
	_ =	sdelay $0x3  }
0x96: {  	_ =	strace s2  }
0x97: {  	_ =	strace $0x8FFFFFFF  }
0x98: {  	s18 =	sld [smem:$0x3FDB];
	_ =	sdelay $0x1  }
0x99: {  	s19 =	simm.s32 $_scs_section_size  }
0x9a: {  	s4 =	simm.s32 $_size__tile_overlayer_lowered;
	s5 =	simm.s32 $_tile_overlayer_lowered  }
0x9b: {  	s22 =	simm.s32 $0x1BFF;
	s21 =	sshll.u32 s5, $0x1;
	s2 =	sadd.s32 s19, s18  }
0x9c: {  	s6 =	simm.s32 $0x0;
	s20 =	sshll.u32 s4, $0x1;
	s4 =	sadd.s32 s21, s2  }
0x9d: {  	[timem:s6], [sflag:s22] =	dma.local [hbm:s4], s20  }
0x9e: {  	_ =	swait.ge [sflag:s22], s20  }
0x9f: {  	s3 =	ssub.s32 $0x0, s20;
	[sflag:s22] =	ssyncset.done $0x0  }
0xa0: {  	[sflag:s22] =	ssyncadd.s32 s3;
	_ =	sdelay $0x1  }
0xa1: {  	s23 =	simm.s32 $0x1B8B  }
0xa2: {  	_ =	swait.ge [sflag:s23], $0x1  }
0xa3: {  	[sflag:s23] =	ssyncset.done $0x0  }
0xa4: {  	s25 =	simm.s32 $0x1B8E;
	s24 =	sld [smem:$0x3FFE];
	[sflag:s23] =	ssyncadd.s32 $0xFFFFFFFF  }
0xa5: {  	s26 =	simm.s32 $execute0_lowered;
	[smem:$0x3FD2] =	sst s25  }
0xa6: {  	s4 =	sshll.u32 s26, $0x1;
	_ =	strace $0x80000049;
	[dreg:$0x1] =	wrdreg $0xFFFFFFFF  }
0xa7: {  	s28 =	simm.s32 $_size_execute0_lowered;
	s2 =	sadd.s32 s2, s4;
	[dreg:$0x0] =	wrdreg $0x0  }
0xa8: {  	s4 =	sshll.u32 s28, $0x1;
	[dreg:$0x2] =	wrdreg s2  }
0xa9: {  	[dreg:$0x3] =	wrdreg s4  }
0xaa: {  	[dreg:$0x4] =	wrdreg $0xC0  }
0xab: {  	_ =	task [dreg:s6], $0x5FFFF  }
0xac: {  	[dreg:$0x1] =	wrdreg $0xFFFFFFFF  }
0xad: {  	[dreg:$0x0] =	wrdreg $0x60  }
0xae: {  	[dreg:$0x2] =	wrdreg s24  }
0xaf: {  	[dreg:$0x3] =	wrdreg $0x92000  }
0xb0: {  	[dreg:$0x4] =	wrdreg $0x9  }
0xb1: {  	_ =	task.clear_ibuf [dreg:s6], $0x5FFFF;
	_ =	strace $0x90000049  }
0xb2: {  	s29 =	simm.s32 $0x9;
	_ =	strace $0x8000004B  }
0xb3: {  	_ =	swait.ge [sflag:s29], $0x1  }
0xb4: {  	[sflag:s29] =	ssyncadd.s32 $0xFFFFFFFF  }
0xb5: {  	_ =	strace $0x9000004B  }
0xb6: {  	_ =	sfence  }
0xb7: {  	s30 =	sld [smem:$0x0];
	_ =	sdelay $0x2  }
0xb8: {  	s31 =	sshll.u32 s1, $0xD;
	s1 =	sshrl.u32 s1, $0x2  }
0xb9: {  	s3 =	sand.u32 $0x4000, s31;
	s1 =	sadd.s32 s1, s30  }
0xba: {  	s0 =	sor.u32 s3, s0;
	s1 =	sshll.u32 s1, $0x11  }
0xbb: {  	s0 =	sor.u32 s1, s0  }
0xbc: {  	s0 =	sadd.s32 $0x8F2B, s0  }
0xbd: {  	[sflag:s0] =	ssyncadd.remote.s32 $0x1  }
0xbe: {  	_ =	sfence.sel $0xFFFF  }
0xbf: {  	[dreg:$0x0] =	wrdreg $0xFFFFFFFF;
	(pc) =	sbr.abs _section_cstart, $3  }
0xc0: {  	[dreg:$0x1] =	wrdreg $0xFFFFFFFF  }
0xc1: {  	_ =	task.clear_ibuf [dreg:s6], $0x2FFFF;
	_ =	strace $0x9FFFFFFF  }
0xc2: {  	(tm) =	ssettm $0x7FFFFFFF  }
0xc3: {  	_ =	shalt  }
tec
execute0_lowered:
.L_overlay_start_1:
0x0: {  	(tag) =	ssettag $0x1  }
0x1: {  	s0 =	rddreg [dreg:$0x0]  }
0x2: {  	s1 =	rddreg [dreg:$0x1];
	s2 =	srdreg.scid  }
0x3: {  	s3 =	simm.s32 $0x0;
	s13 =	stileid.u32;
	s28 =	simm.s32 $0x5200  }
0x4: {  	s29 =	simm.s32 $0x3;
	s30 =	simm.s32 $0x100;
	s31 =	simm.s32 $0x50  }
0x5: {  	s2 =	sand.u32 $0x1, s2;
	[smem:$0x7FF] =	sst s3;
	s10 =	smul.u32 $0x50000, s13  }
0x6: {  	s6 =	sadd.s32 $0xCA00, s0;
	s26 =	smul.u32 $0x14000, s13;
	s4 =	sshll.u32 s2, $0x4  }
0x7: {  	_ =	strace $0x8000004A;
	s7 =	ssub.s32 $0x2, s2;
	s25 =	smul.u32 $0x140000, s2  }
0x8: {  	s2 =	smul.u32 $0x27100, s2;
	s5 =	sor.u32 s13, s4;
	s4 =	sadd.s32 $0x16800, s0  }
0x9: {  	s9 =	sshrl.u32 s7, $0x1;
	s24 =	sshrl.u32 s10, $0x2;
	s17 =	sadd.s32 $0x4000, s26  }
0xa: {  	s20 =	sadd.s32 $0x8000, s26;
	s23 =	sadd.s32 $0xC000, s26;
	s8 =	smul.u32 $0x2710, s5  }
0xb: {  	s5 =	sadd.s32 $0x2C00, s0;
	s0 =	sadd.s32 $0x3DA00, s0;
	s9 =	ssub.s32 s7, s9  }
0xc: {  	s7 =	sadd.s32 s24, s1;
	s16 =	sadd.s32 s25, s26;
	s22 =	sadd.s32 s20, s1  }
0xd: {  	s18 =	sadd.s32 s25, s17;
	s12 =	smax.u32 s9, $0x1;
	[dreg:$0xc] =	wrdreg s22  }
0xe: {  	s21 =	sadd.s32 s25, s20;
	s14 =	sadd.s32 $0x4000, s7;
	[dreg:$0x5] =	wrdreg s12  }
0xf: {  	s24 =	smul.u32 $0x2710, s13;
	s15 =	sadd.s32 $0x8000, s7;
	[dreg:$0x6] =	wrdreg s14  }
0x10: {  	s19 =	sshrl.u32 s18, $0x3;
	s9 =	sadd.s32 s17, s1;
	[dreg:$0x7] =	wrdreg s15  }
0x11: {  	s8 =	sshrl.u32 s8, $0x3;
	s12 =	sadd.s32 $0xC000, s7;
	[dreg:$0xa] =	wrdreg s9  }
0x12: {  	s2 =	sadd.s32 s24, s2;
	s11 =	sadd.s32 s5, s8;
	[dreg:$0x8] =	wrdreg s12  }
0x13: {  	s8 =	sadd.s32 s6, s8;
	s9 =	sadd.s32 $0x50, s2;
	[dreg:$0x3] =	wrdreg s11  }
0x14: {  	s12 =	simm.s32 $0x0;
	[dreg:$0x4] =	wrdreg s8;
	s8 =	sshrl.u32 s16, $0x3  }
0x15: {  	s11 =	sadd.s32 $0x10000, s26;
	s26 =	sshrl.u32 s9, $0x3;
	s8 =	sadd.s32 s0, s8  }
0x16: {  	s9 =	simm.s32 $0x2A00;
	[dreg:$0x9] =	wrdreg s8;
	s8 =	sadd.s32 s0, s19  }
0x17: {  	s10 =	sadd.s32 s25, s11;
	[dreg:$0xb] =	wrdreg s8;
	s8 =	sshrl.u32 s21, $0x3  }
0x18: {  	s24 =	sadd.s32 s26, s6;
	s19 =	sadd.s32 s23, s1;
	s8 =	sadd.s32 s0, s8  }
0x19: {  	s21 =	sadd.s32 s11, s1;
	s11 =	simm.s32 $0x2;
	[dreg:$0xd] =	wrdreg s8  }
0x1a: {  	s8 =	sadd.s32 s25, s23;
	s25 =	sshrl.u32 s10, $0x3;
	s23 =	sadd.s32 $0xA0, s2  }
0x1b: {  	s2 =	simm.s32 $0x80;
	s10 =	simm.s32 $0x1;
	s8 =	sshrl.u32 s8, $0x3  }
0x1c: {  	s22 =	sadd.s32 s0, s25;
	s25 =	sadd.s32 s26, s5;
	s26 =	sadd.s32 $0x10000, s7  }
0x1d: {  	v0 =	vimm.f32 $0.0e+00;
	s20 =	sadd.s32 s0, s8;
	s0 =	simm.s32 $0x200;
	s8 =	simm.s32 $0x180  }
.LBB2_1:
0x1e: {  	s13 =	simm.s32 $0x0;
	s14 =	simm.s32 $0x200  }
.LBB2_2:
0x1f: {  	p0 =	sne.s32 s14, $0xFE00;
	[tilespmem:s13+$0x5270] =	vst v0  }
0x20: {  	[tilespmem:s13+$0x5200] =	vst v0  }
0x21: {  	[tilespmem:s13+$0x5210] =	vst v0  }
.Ltmp0:
0x22: {  	[tilespmem:s13+$0x5220] =	vst v0;
	(pc) =	sbr.rel @p0 .LBB2_2-.Ltmp0, $4  }
0x23: {  	[tilespmem:s13+$0x5230] =	vst v0  }
0x24: {  	[tilespmem:s13+$0x5240] =	vst v0  }
0x25: {  	[tilespmem:s13+$0x5250] =	vst v0  }
0x26: {  	[tilespmem:s13+$0x5260] =	vst v0;
	s13 =	sshra.s32 s14, $0x2;
	s14 =	sadd.s32 $0x200, s14  }
0x27: {  	[tilespmem:s13+$0x5270] =	vst v0  }
0x28: {  	[tilespmem:s13+$0x5200] =	vst v0  }
0x29: {  	[tilespmem:s13+$0x5210] =	vst v0  }
0x2a: {  	[tilespmem:s13+$0x5220] =	vst v0  }
0x2b: {  	[tilespmem:s13+$0x5230] =	vst v0  }
0x2c: {  	[tilespmem:s13+$0x5240] =	vst v0  }
0x2d: {  	[tilespmem:s13+$0x5250] =	vst v0  }
0x2e: {  	[tilespmem:s13+$0x5260] =	vst v0  }
0x2f: {  	[spmem:s7] =	stream.linear.scatter [tilespmem:s28], [sflag:$0x3], $0x4000, $0x38;
	[tilespmem:$0x1D200] =	vst v63  }
0x30: {  	_ =	swait.ge [sflag:s29], $0x4000  }
0x31: {  	[sflag:s29] =	ssyncset.done $0x0  }
0x32: {  	s14 =	rddreg [dreg:$0x6];
	[sflag:s29] =	ssyncadd.s32 $0xFFFFC000  }
0x33: {  	[spmem:s14] =	stream.linear.scatter [tilespmem:s28], [sflag:$0x3], $0x4000, $0x38;
	[tilespmem:$0x1D200] =	vst v63  }
0x34: {  	_ =	swait.ge [sflag:s29], $0x4000  }
0x35: {  	[sflag:s29] =	ssyncset.done $0x0  }
0x36: {  	s15 =	rddreg [dreg:$0x7];
	[sflag:s29] =	ssyncadd.s32 $0xFFFFC000  }
0x37: {  	[spmem:s15] =	stream.linear.scatter [tilespmem:s28], [sflag:$0x3], $0x4000, $0x38;
	[tilespmem:$0x1D200] =	vst v63  }
0x38: {  	_ =	swait.ge [sflag:s29], $0x4000  }
0x39: {  	[sflag:s29] =	ssyncset.done $0x0  }
0x3a: {  	s16 =	rddreg [dreg:$0x8];
	[sflag:s29] =	ssyncadd.s32 $0xFFFFC000  }
0x3b: {  	[spmem:s16] =	stream.linear.scatter [tilespmem:s28], [sflag:$0x3], $0x4000, $0x38;
	[tilespmem:$0x1D200] =	vst v63  }
0x3c: {  	_ =	swait.ge [sflag:s29], $0x4000  }
0x3d: {  	[sflag:s29] =	ssyncset.done $0x0  }
0x3e: {  	[sflag:s29] =	ssyncadd.s32 $0xFFFFC000  }
0x3f: {  	[spmem:s26] =	stream.linear.scatter [tilespmem:s28], [sflag:$0x3], $0x4000, $0x38;
	[tilespmem:$0x1D200] =	vst v63  }
0x40: {  	_ =	swait.ge [sflag:s29], $0x4000  }
0x41: {  	[sflag:s29] =	ssyncset.done $0x0  }
0x42: {  	[sflag:s29] =	ssyncadd.s32 $0xFFFFC000  }
0x43: {  	[bflag:$0x0] =	sbarrier.arrive $0xFFFF  }
0x44: {  	s17 =	simm.s32 $0x0;
	s14 =	rddreg [dreg:$0x3]  }
0x45: {  	[tilespmem:s17], [sflag:$0x3] =	stream.linear.gather [hbm4b:s14+s17], $0x50, $0x38;
	[tilespmem:$0x1D200] =	vst v63  }
0x46: {  	_ =	swait.ge [sflag:s29], $0x50  }
0x47: {  	[sflag:s29] =	ssyncset.done $0x0  }
0x48: {  	s18 =	rddreg [dreg:$0x4];
	[sflag:s29] =	ssyncadd.s32 $0xFFFFFFB0  }
0x49: {  	[tilespmem:s30], [sflag:$0x3] =	stream.linear.gather [hbm4b:s18+s17], $0x50, $0x38;
	[tilespmem:$0x1D200] =	vst v63  }
0x4a: {  	_ =	swait.ge [sflag:s29], $0x50  }
0x4b: {  	[sflag:s29] =	ssyncset.done $0x0  }
0x4c: {  	[sflag:s29] =	ssyncadd.s32 $0xFFFFFFB0  }
0x4d: {  	[tilespmem:s0], [sflag:$0x1] =	stream.indirect.gather [hbm4b:s4+s31], $0x80, s17, s31, $0xb8;
	[tilespmem:$0x1D200] =	vst v63  }
0x4e: {  	s15 =	sadd.s32 $0x0, s25  }
0x4f: {  	[tilespmem:s2], [sflag:$0x3] =	stream.linear.gather [hbm4b:s15+s3], $0x50, $0x38;
	[tilespmem:$0x1D200] =	vst v63  }
0x50: {  	_ =	swait.ge [sflag:s29], $0x50  }
0x51: {  	[sflag:s29] =	ssyncset.done $0x0  }
0x52: {  	s16 =	sadd.s32 $0x0, s24;
	[sflag:s29] =	ssyncadd.s32 $0xFFFFFFB0  }
0x53: {  	[tilespmem:s8], [sflag:$0x3] =	stream.linear.gather [hbm4b:s16+s3], $0x50, $0x38;
	[tilespmem:$0x1D200] =	vst v63  }
0x54: {  	_ =	swait.ge [sflag:s29], $0x50  }
0x55: {  	[sflag:s29] =	ssyncset.done $0x0  }
0x56: {  	[sflag:s29] =	ssyncadd.s32 $0xFFFFFFB0  }
0x57: {  	[tilespmem:s9], [sflag:$0x2] =	stream.indirect.gather [hbm4b:s4+s31], $0x80, s2, s31, $0xb8;
	[tilespmem:$0x1D200] =	vst v63  }
0x58: {  	_ =	swait.ge [sflag:s10], $0x2800  }
0x59: {  	[sflag:s10] =	ssyncset.done $0x0  }
0x5a: {  	[sflag:s10] =	ssyncadd.s32 $0xFFFFD800  }
0x5b: {  	[spmem:s1] =	stream.indirect.scatter.add.f32 [tilespmem:s0], [sflag:$0x3], $0x80, s30, s31, $0xb8;
	[tilespmem:$0x1D200] =	vst v63  }
0x5c: {  	_ =	swait.ge [sflag:s29], $0x2800  }
0x5d: {  	s17 =	sshrl.u32 s23, $0x3;
	[sflag:s29] =	ssyncset.done $0x0  }
0x5e: {  	s18 =	sadd.s32 s5, s17;
	[sflag:s29] =	ssyncadd.s32 $0xFFFFD800  }
0x5f: {  	[tilespmem:s3], [sflag:$0x3] =	stream.linear.gather [hbm4b:s18+s3], $0x50, $0x38;
	[tilespmem:$0x1D200] =	vst v63  }
0x60: {  	_ =	swait.ge [sflag:s29], $0x50  }
0x61: {  	[sflag:s29] =	ssyncset.done $0x0  }
0x62: {  	s13 =	sadd.s32 s6, s17;
	[sflag:s29] =	ssyncadd.s32 $0xFFFFFFB0  }
0x63: {  	[tilespmem:s30], [sflag:$0x3] =	stream.linear.gather [hbm4b:s13+s3], $0x50, $0x38;
	[tilespmem:$0x1D200] =	vst v63  }
0x64: {  	_ =	swait.ge [sflag:s29], $0x50  }
0x65: {  	[sflag:s29] =	ssyncset.done $0x0  }
0x66: {  	[sflag:s29] =	ssyncadd.s32 $0xFFFFFFB0  }
0x67: {  	[tilespmem:s0], [sflag:$0x1] =	stream.indirect.gather [hbm4b:s4+s31], $0x80, s3, s31, $0xb8;
	[tilespmem:$0x1D200] =	vst v63  }
0x68: {  	_ =	swait.ge [sflag:s11], $0x2800  }
0x69: {  	[sflag:s11] =	ssyncset.done $0x0  }
0x6a: {  	[sflag:s11] =	ssyncadd.s32 $0xFFFFD800  }
0x6b: {  	[spmem:s1] =	stream.indirect.scatter.add.f32 [tilespmem:s9], [sflag:$0x3], $0x80, s8, s31, $0xb8;
	[tilespmem:$0x1D200] =	vst v63  }
0x6c: {  	s14 =	simm.s32 $0x14;
	_ =	swait.ge [sflag:s29], $0x2800  }
0x6d: {  	s15 =	simm.s32 $0x28;
	s13 =	sadd.s32 $0xA0, s23;
	[sflag:s29] =	ssyncset.done $0x0  }
.LBB2_4:
0x6e: {  	s17 =	sadd.s32 s14, s25  }
0x6f: {  	[sflag:s29] =	ssyncadd.s32 $0xFFFFD800;
	s18 =	smov.u32 s15;
	s16 =	sadd.s32 $0x14, s15  }
0x70: {  	[tilespmem:s2], [sflag:$0x3] =	stream.linear.gather [hbm4b:s17+s3], $0x50, $0x38;
	[tilespmem:$0x1D200] =	vst v63  }
0x71: {  	p0 =	sne.s32 s15, $0x4C4;
	_ =	swait.ge [sflag:s29], $0x50  }
0x72: {  	[sflag:s29] =	ssyncset.done $0x0  }
0x73: {  	s15 =	sadd.s32 s14, s24;
	s14 =	smov.u32 s18;
	[sflag:s29] =	ssyncadd.s32 $0xFFFFFFB0  }
0x74: {  	[tilespmem:s8], [sflag:$0x3] =	stream.linear.gather [hbm4b:s15+s3], $0x50, $0x38;
	[tilespmem:$0x1D200] =	vst v63  }
0x75: {  	_ =	swait.ge [sflag:s29], $0x50  }
0x76: {  	[sflag:s29] =	ssyncset.done $0x0  }
0x77: {  	[sflag:s29] =	ssyncadd.s32 $0xFFFFFFB0  }
0x78: {  	[tilespmem:s9], [sflag:$0x2] =	stream.indirect.gather [hbm4b:s4+s31], $0x80, s2, s31, $0xb8;
	[tilespmem:$0x1D200] =	vst v63  }
0x79: {  	_ =	swait.ge [sflag:s10], $0x2800  }
0x7a: {  	[sflag:s10] =	ssyncset.done $0x0  }
0x7b: {  	[sflag:s10] =	ssyncadd.s32 $0xFFFFD800  }
0x7c: {  	[spmem:s1] =	stream.indirect.scatter.add.f32 [tilespmem:s0], [sflag:$0x3], $0x80, s30, s31, $0xb8;
	[tilespmem:$0x1D200] =	vst v63  }
0x7d: {  	_ =	swait.ge [sflag:s29], $0x2800  }
0x7e: {  	s15 =	sshrl.u32 s13, $0x3;
	[sflag:s29] =	ssyncset.done $0x0  }
0x7f: {  	s17 =	sadd.s32 s5, s15;
	[sflag:s29] =	ssyncadd.s32 $0xFFFFD800  }
0x80: {  	[tilespmem:s3], [sflag:$0x3] =	stream.linear.gather [hbm4b:s17+s3], $0x50, $0x38;
	[tilespmem:$0x1D200] =	vst v63  }
0x81: {  	_ =	swait.ge [sflag:s29], $0x50  }
0x82: {  	[sflag:s29] =	ssyncset.done $0x0  }
0x83: {  	s15 =	sadd.s32 s6, s15;
	[sflag:s29] =	ssyncadd.s32 $0xFFFFFFB0  }
0x84: {  	[tilespmem:s30], [sflag:$0x3] =	stream.linear.gather [hbm4b:s15+s3], $0x50, $0x38;
	[tilespmem:$0x1D200] =	vst v63  }
0x85: {  	_ =	swait.ge [sflag:s29], $0x50  }
0x86: {  	[sflag:s29] =	ssyncset.done $0x0  }
0x87: {  	[sflag:s29] =	ssyncadd.s32 $0xFFFFFFB0  }
0x88: {  	[tilespmem:s0], [sflag:$0x1] =	stream.indirect.gather [hbm4b:s4+s31], $0x80, s3, s31, $0xb8;
	[tilespmem:$0x1D200] =	vst v63  }
0x89: {  	_ =	swait.ge [sflag:s11], $0x2800  }
.Ltmp1:
0x8a: {  	[sflag:s11] =	ssyncset.done $0x0;
	(pc) =	sbr.rel @p0 .LBB2_4-.Ltmp1, $4  }
0x8b: {  	[sflag:s11] =	ssyncadd.s32 $0xFFFFD800  }
0x8c: {  	[spmem:s1] =	stream.indirect.scatter.add.f32 [tilespmem:s9], [sflag:$0x3], $0x80, s8, s31, $0xb8;
	[tilespmem:$0x1D200] =	vst v63  }
0x8d: {  	_ =	swait.ge [sflag:s29], $0x2800  }
0x8e: {  	s13 =	sadd.s32 $0xA0, s13;
	s15 =	smov.u32 s16;
	[sflag:s29] =	ssyncset.done $0x0  }
0x8f: {  	s15 =	sadd.s32 s14, s25;
	[sflag:s29] =	ssyncadd.s32 $0xFFFFD800  }
0x90: {  	[tilespmem:s2], [sflag:$0x3] =	stream.linear.gather [hbm4b:s15+s3], $0x50, $0x38;
	[tilespmem:$0x1D200] =	vst v63  }
0x91: {  	_ =	swait.ge [sflag:s29], $0x50  }
0x92: {  	[sflag:s29] =	ssyncset.done $0x0  }
0x93: {  	s16 =	sadd.s32 s14, s24;
	[sflag:s29] =	ssyncadd.s32 $0xFFFFFFB0  }
0x94: {  	[tilespmem:s8], [sflag:$0x3] =	stream.linear.gather [hbm4b:s16+s3], $0x50, $0x38;
	[tilespmem:$0x1D200] =	vst v63  }
0x95: {  	_ =	swait.ge [sflag:s29], $0x50  }
0x96: {  	[sflag:s29] =	ssyncset.done $0x0  }
0x97: {  	[sflag:s29] =	ssyncadd.s32 $0xFFFFFFB0  }
0x98: {  	[tilespmem:s9], [sflag:$0x2] =	stream.indirect.gather [hbm4b:s4+s31], $0x80, s2, s31, $0xb8;
	[tilespmem:$0x1D200] =	vst v63  }
0x99: {  	_ =	swait.ge [sflag:s10], $0x2800  }
0x9a: {  	[sflag:s10] =	ssyncset.done $0x0  }
0x9b: {  	[sflag:s10] =	ssyncadd.s32 $0xFFFFD800  }
0x9c: {  	[spmem:s1] =	stream.indirect.scatter.add.f32 [tilespmem:s0], [sflag:$0x3], $0x80, s30, s31, $0xb8;
	[tilespmem:$0x1D200] =	vst v63  }
0x9d: {  	_ =	swait.ge [sflag:s29], $0x2800  }
0x9e: {  	s13 =	sshrl.u32 s13, $0x3;
	[sflag:s29] =	ssyncset.done $0x0  }
0x9f: {  	s17 =	sadd.s32 s5, s13;
	[sflag:s29] =	ssyncadd.s32 $0xFFFFD800  }
0xa0: {  	[tilespmem:s3], [sflag:$0x3] =	stream.linear.gather [hbm4b:s17+s3], $0x50, $0x38;
	[tilespmem:$0x1D200] =	vst v63  }
0xa1: {  	_ =	swait.ge [sflag:s29], $0x50  }
0xa2: {  	[sflag:s29] =	ssyncset.done $0x0  }
0xa3: {  	s13 =	sadd.s32 s6, s13;
	[sflag:s29] =	ssyncadd.s32 $0xFFFFFFB0  }
0xa4: {  	[tilespmem:s30], [sflag:$0x3] =	stream.linear.gather [hbm4b:s13+s3], $0x50, $0x38;
	[tilespmem:$0x1D200] =	vst v63  }
0xa5: {  	_ =	swait.ge [sflag:s29], $0x50  }
0xa6: {  	[sflag:s29] =	ssyncset.done $0x0  }
0xa7: {  	[sflag:s29] =	ssyncadd.s32 $0xFFFFFFB0  }
0xa8: {  	[tilespmem:s0], [sflag:$0x1] =	stream.indirect.gather [hbm4b:s4+s31], $0x80, s3, s31, $0xb8;
	[tilespmem:$0x1D200] =	vst v63  }
0xa9: {  	_ =	swait.ge [sflag:s11], $0x2800  }
0xaa: {  	[sflag:s11] =	ssyncset.done $0x0  }
0xab: {  	[sflag:s11] =	ssyncadd.s32 $0xFFFFD800  }
0xac: {  	[spmem:s1] =	stream.indirect.scatter.add.f32 [tilespmem:s9], [sflag:$0x3], $0x80, s8, s31, $0xb8;
	[tilespmem:$0x1D200] =	vst v63  }
0xad: {  	_ =	swait.ge [sflag:s29], $0x2800  }
0xae: {  	[sflag:s29] =	ssyncset.done $0x0  }
0xaf: {  	[sflag:s29] =	ssyncadd.s32 $0xFFFFD800  }
0xb0: {  	_ =	swait.ge [sflag:s10], $0x2800  }
0xb1: {  	[sflag:s10] =	ssyncset.done $0x0  }
0xb2: {  	[sflag:s10] =	ssyncadd.s32 $0xFFFFD800  }
0xb3: {  	[spmem:s1] =	stream.indirect.scatter.add.f32 [tilespmem:s0], [sflag:$0x3], $0x80, s30, s31, $0xb8;
	[tilespmem:$0x1D200] =	vst v63  }
0xb4: {  	_ =	swait.ge [sflag:s29], $0x2800  }
0xb5: {  	[sflag:s29] =	ssyncset.done $0x0  }
0xb6: {  	[sflag:s29] =	ssyncadd.s32 $0xFFFFD800  }
0xb7: {  	[bflag:$0x0] =	sbarrier.arrive $0xFFFF  }
0xb8: {  	[tilespmem:s28], [sflag:$0x3] =	stream.linear.gather [spmem:s7], $0x4000, $0x38;
	[tilespmem:$0x1D200] =	vst v63  }
0xb9: {  	_ =	swait.ge [sflag:s29], $0x4000  }
0xba: {  	[sflag:s29] =	ssyncset.done $0x0  }
0xbb: {  	s18 =	rddreg [dreg:$0x9];
	[sflag:s29] =	ssyncadd.s32 $0xFFFFC000  }
0xbc: {  	[hbm4b:s18+s3] =	stream.linear.scatter [tilespmem:s28], [sflag:$0x3], $0x4000, $0x38;
	[tilespmem:$0x1D200] =	vst v63  }
0xbd: {  	_ =	swait.ge [sflag:s29], $0x4000  }
0xbe: {  	[sflag:s29] =	ssyncset.done $0x0  }
0xbf: {  	s14 =	rddreg [dreg:$0xa];
	[sflag:s29] =	ssyncadd.s32 $0xFFFFC000  }
0xc0: {  	[tilespmem:s28], [sflag:$0x3] =	stream.linear.gather [spmem:s14], $0x4000, $0x38;
	[tilespmem:$0x1D200] =	vst v63  }
0xc1: {  	_ =	swait.ge [sflag:s29], $0x4000  }
0xc2: {  	[sflag:s29] =	ssyncset.done $0x0  }
0xc3: {  	s15 =	rddreg [dreg:$0xb];
	[sflag:s29] =	ssyncadd.s32 $0xFFFFC000  }
0xc4: {  	[hbm4b:s15+s3] =	stream.linear.scatter [tilespmem:s28], [sflag:$0x3], $0x4000, $0x38;
	[tilespmem:$0x1D200] =	vst v63  }
0xc5: {  	_ =	swait.ge [sflag:s29], $0x4000  }
0xc6: {  	[sflag:s29] =	ssyncset.done $0x0  }
0xc7: {  	s16 =	rddreg [dreg:$0xc];
	[sflag:s29] =	ssyncadd.s32 $0xFFFFC000  }
0xc8: {  	[tilespmem:s28], [sflag:$0x3] =	stream.linear.gather [spmem:s16], $0x4000, $0x38;
	[tilespmem:$0x1D200] =	vst v63  }
0xc9: {  	_ =	swait.ge [sflag:s29], $0x4000  }
0xca: {  	[sflag:s29] =	ssyncset.done $0x0  }
0xcb: {  	s17 =	rddreg [dreg:$0xd];
	[sflag:s29] =	ssyncadd.s32 $0xFFFFC000  }
0xcc: {  	[hbm4b:s17+s3] =	stream.linear.scatter [tilespmem:s28], [sflag:$0x3], $0x4000, $0x38;
	[tilespmem:$0x1D200] =	vst v63  }
0xcd: {  	_ =	swait.ge [sflag:s29], $0x4000  }
0xce: {  	[sflag:s29] =	ssyncset.done $0x0  }
0xcf: {  	[sflag:s29] =	ssyncadd.s32 $0xFFFFC000  }
0xd0: {  	[tilespmem:s28], [sflag:$0x3] =	stream.linear.gather [spmem:s19], $0x4000, $0x38;
	[tilespmem:$0x1D200] =	vst v63  }
0xd1: {  	_ =	swait.ge [sflag:s29], $0x4000  }
0xd2: {  	[sflag:s29] =	ssyncset.done $0x0  }
0xd3: {  	[sflag:s29] =	ssyncadd.s32 $0xFFFFC000  }
0xd4: {  	[hbm4b:s20+s3] =	stream.linear.scatter [tilespmem:s28], [sflag:$0x3], $0x4000, $0x38;
	[tilespmem:$0x1D200] =	vst v63  }
0xd5: {  	_ =	swait.ge [sflag:s29], $0x4000  }
0xd6: {  	[sflag:s29] =	ssyncset.done $0x0  }
0xd7: {  	[sflag:s29] =	ssyncadd.s32 $0xFFFFC000  }
0xd8: {  	[tilespmem:s28], [sflag:$0x3] =	stream.linear.gather [spmem:s21], $0x4000, $0x38;
	[tilespmem:$0x1D200] =	vst v63  }
0xd9: {  	_ =	swait.ge [sflag:s29], $0x4000  }
0xda: {  	[sflag:s29] =	ssyncset.done $0x0  }
0xdb: {  	[sflag:s29] =	ssyncadd.s32 $0xFFFFC000  }
0xdc: {  	[hbm4b:s22+s3] =	stream.linear.scatter [tilespmem:s28], [sflag:$0x3], $0x4000, $0x38;
	[tilespmem:$0x1D200] =	vst v63  }
0xdd: {  	_ =	swait.ge [sflag:s29], $0x4000  }
0xde: {  	s12 =	sadd.s32 $0x1, s12;
	s18 =	rddreg [dreg:$0x5]  }
0xdf: {  	p0 =	sne.s32 s12, s18  }
.Ltmp2:
0xe0: {  	_ = 	snop;
	(pc) =	sbr.rel @p0 .LBB2_1-.Ltmp2, $3  }
0xe1: {  	_ =	sdelay $0x1  }
0xe2: {  	[sflag:s29] =	ssyncset.done $0x0  }
0xe3: {  	[sflag:s29] =	ssyncadd.s32 $0xFFFFC000  }
0xe4: {  	_ =	sfence.sel $0x180000  }
0xe5: {  	[bflag:$0x0] =	sbarrier.arrive $0xFFFF  }
0xe6: {  	_ =	strace $0x9000004A  }
0xe7: {  	s0 =	stileid.u32;
	[bflag:$0x2] =	sbarrier.arrive $0xFFFF  }
0xe8: {  	p0 =	sne.s32 s0, $0x0;
	s0 =	rddreg [dreg:$0x2]  }
0xe9: {  	s0 =	sadd.s32 @!p0 $0x100000, s0  }
0xea: {  	[sflag:s0] =	ssyncadd.tile.s32 @!p0 $0x1;
	_ =	shalt  }
.Lfunc_end2:
_tile_overlayer_lowered:
.L_overlay_start_2:
0xeb: {  	(tag) =	ssettag $0x2  }
0xec: {  	s0 =	rddreg [dreg:$0x0];
	s2 =	stileid.u32  }
0xed: {  	s1 =	rddreg [dreg:$0x1];
	p0 =	sne.s32 s2, $0x0  }
0xee: {  	s3 =	rddreg [dreg:$0x2];
	[bflag:$0x3] =	sbarrier.arrive $0xFFFF;
	s2 =	simm.s32 @!p0 $0x1C03  }
0xef: {  	[timem:s3], [sflag:s2] =	dma.local @!p0 [hbm:s0], s1  }
0xf0: {  	s0 =	simm.s32 @!p0 $0x3  }
0xf1: {  	_ =	swait.ge @!p0 [sflag:s0], s1  }
0xf2: {  	s1 =	ssub.s32 @!p0 $0x0, s1;
	[sflag:s0] =	ssyncset.done @!p0 $0x0  }
0xf3: {  	[sflag:s0] =	ssyncadd.s32 @!p0 s1  }
0xf4: {  	[bflag:$0x3] =	sbarrier.arrive $0xFFFF  }
0xf5: {  	_ =	shalt  }

// kernel: kernel.14.cloned.1.call-start
scs
__scs_entry_jumppad:
0x0: {  	(pc) =	sbr.rel $0x88, $3  }
0x1: {  	(tag) =	ssettag $0x0;
	lr =	simm.s32 $0x1  }
0x2: {  	[smem:$0x3F99] =	sst lr;
	_ =	strace $0xD0000000  }
0x3: {  	_ = 	snop  }
0x4: {  	_ = 	snop  }
0x5: {  	_ = 	snop  }
0x6: {  	_ = 	snop  }
0x7: {  	_ = 	snop  }
__scs_overlays_trampoline_lowered:
0x8: {  	[smem:$0x3FA8] =	sst s0  }
0x9: {  	[smem:$0x3FA9] =	sst s1  }
0xa: {  	[smem:$0x3FAA] =	sst s2  }
0xb: {  	[smem:$0x3FAB] =	sst s3  }
0xc: {  	[smem:$0x3FAC] =	sst s4  }
0xd: {  	[smem:$0x3FAD] =	sst s5  }
0xe: {  	[smem:$0x3FAE] =	sst s6  }
0xf: {  	[smem:$0x3FAF] =	sst s7  }
0x10: {  	[smem:$0x3FB0] =	sst s8  }
0x11: {  	[smem:$0x3FB1] =	sst s9;
	s0 =	simm.s32 @!p0 $0x0  }
0x12: {  	s1 =	sld [smem:$0x3F97];
	s0 =	simm.s32 @p0 $0x1  }
0x13: {  	[smem:$0x3FB2] =	sst s0;
	s0 =	simm.s32 @!p1 $0x0  }
0x14: {  	s2 =	sld [smem:$0x3F96];
	s0 =	simm.s32 @p1 $0x1  }
0x15: {  	[smem:$0x3FB3] =	sst s0;
	s0 =	simm.s32 @!p2 $0x0  }
0x16: {  	s3 =	sld [smem:$0x3FDB];
	s0 =	simm.s32 @p2 $0x1  }
0x17: {  	s4 =	simm.s32 $0x1BF5;
	[smem:$0x3FB5] =	sst s0  }
0x18: {  	s0 =	sld [smem:$0x3F98];
	_ =	swait.ge [sflag:s4], $0x0  }
0x19: {  	s7 =	sld [smem:$0x3F99]  }
0x1a: {  	s8 =	sadd.s32 $0xFFFFE003, lr  }
0x1b: {  	s9 =	sadd.s32 $0xFFFFFEF7, lr;
	s5 =	simm.s32 $0xFFFFFFFF;
	p2 =	slt.u32 s8, $0xFFFFF086  }
0x1c: {  	p1 =	slt.u32 s9, $0xF7A;
	s5 =	simm.s32 @!p2 $0x0  }
0x1d: {  	s5 =	simm.s32 @p1 $0x1;
	p0 =	seq.s32 s7, s2  }
0x1e: {  	s7 =	smul.u32 @!p0 $0xF7A, s2;
	p2 =	seq.s32 @!p0 s5, $0x0  }
0x1f: {  	s9 =	smul.u32 $0xF7A, s1;
	s8 =	simm.s32 @!p0 $0x1BF5;
	p2 =	por !p2, p0  }
0x20: {  	[sflag:s8] =	ssyncset.s32 @!p0 $0xFFFFF086;
	s6 =	sadd.s32 @!p0 s3, s7;
	s7 =	simm.s32 @!p0 $0x108  }
0x21: {  	s3 =	sadd.s32 s3, s9;
	s6 =	sadd.s32 @!p0 $0x88, s6;
	s7 =	simm.s32 @p2 $0x1082  }
0x22: {  	[simem:s7], [sflag:s8] =	dma.local @!p0 [hbm:s6], $0xF7A  }
0x23: {  	s9 =	sor.u32 $0xD0000000, s2;
	s6 =	simm.s32 $0x108;
	_ =	swait.ge @!p0 [sflag:s8], $0x0  }
0x24: {  	s3 =	sadd.s32 $0x88, s3;
	s6 =	simm.s32 @!p1 $0x1082;
	[sflag:s4] =	ssyncset.s32 $0xFFFFF086  }
0x25: {  	[simem:s6], [sflag:s4] =	dma.local [hbm:s3], $0xF7A  }
0x26: {  	[smem:$0x3F99] =	sst s1;
	(tag) =	ssettag s2;
	_ =	strace s9  }
0x27: {  	s1 =	sld [smem:$0x3FA9]  }
0x28: {  	s2 =	sld [smem:$0x3FAA]  }
0x29: {  	s4 =	sld [smem:$0x3FAC]  }
0x2a: {  	p0 =	seq.s32 s5, $0x0;
	s5 =	sld [smem:$0x3FAD]  }
0x2b: {  	s6 =	sld [smem:$0x3FAE]  }
0x2c: {  	s7 =	sld [smem:$0x3FAF]  }
0x2d: {  	s3 =	simm.s32 $0x108;
	s8 =	sld [smem:$0x3FB0]  }
0x2e: {  	s3 =	simm.s32 @!p0 $0x1082;
	s9 =	sld [smem:$0x3FB1]  }
0x2f: {  	lr =	sadd.s32 s0, s3;
	s0 =	sld [smem:$0x3FA8]  }
0x30: {  	s3 =	sld [smem:$0x3FAB]  }
0x31: {  	[smem:$0x3FB4] =	sst s10  }
0x32: {  	s10 =	sld [smem:$0x3FB2];
	_ =	sdelay $0x3  }
0x33: {  	p0 =	seq.s32 s10, $0x1;
	s10 =	sld [smem:$0x3FB4];
	_ =	sdelay $0x3  }
0x34: {  	[smem:$0x3FB4] =	sst s10  }
0x35: {  	s10 =	sld [smem:$0x3FB3];
	_ =	sdelay $0x3  }
0x36: {  	p1 =	seq.s32 s10, $0x1;
	s10 =	sld [smem:$0x3FB4];
	_ =	sdelay $0x3  }
0x37: {  	[smem:$0x3FB4] =	sst s10  }
0x38: {  	s10 =	sld [smem:$0x3FB5]  }
0x39: {  	_ = 	snop;
	(pc) =	sbr.ind lr, $3  }
0x3a: {  	_ = 	snop  }
0x3b: {  	_ = 	snop  }
0x3c: {  	p2 =	seq.s32 s10, $0x1;
	s10 =	sld [smem:$0x3FB4]  }
0x3d: {  	_ =	shalt  }
0x3e: {  	_ =	shalt  }
0x3f: {  	_ =	shalt  }
0x40: {  	_ =	shalt  }
0x41: {  	_ =	shalt  }
0x42: {  	_ =	shalt  }
0x43: {  	_ =	shalt  }
0x44: {  	_ =	shalt  }
0x45: {  	_ =	shalt  }
0x46: {  	_ =	shalt  }
0x47: {  	_ =	shalt  }
0x48: {  	_ =	shalt  }
0x49: {  	_ =	shalt  }
0x4a: {  	_ =	shalt  }
0x4b: {  	_ =	shalt  }
0x4c: {  	_ =	shalt  }
0x4d: {  	_ =	shalt  }
0x4e: {  	_ =	shalt  }
0x4f: {  	_ =	shalt  }
0x50: {  	_ =	shalt  }
0x51: {  	_ =	shalt  }
0x52: {  	_ =	shalt  }
0x53: {  	_ =	shalt  }
0x54: {  	_ =	shalt  }
0x55: {  	_ =	shalt  }
0x56: {  	_ =	shalt  }
0x57: {  	_ =	shalt  }
0x58: {  	_ =	shalt  }
0x59: {  	_ =	shalt  }
0x5a: {  	_ =	shalt  }
0x5b: {  	_ =	shalt  }
0x5c: {  	_ =	shalt  }
0x5d: {  	_ =	shalt  }
0x5e: {  	_ =	shalt  }
0x5f: {  	_ =	shalt  }
0x60: {  	_ =	shalt  }
0x61: {  	_ =	shalt  }
0x62: {  	_ =	shalt  }
0x63: {  	_ =	shalt  }
0x64: {  	_ =	shalt  }
0x65: {  	_ =	shalt  }
0x66: {  	_ =	shalt  }
0x67: {  	_ =	shalt  }
0x68: {  	_ =	shalt  }
0x69: {  	_ =	shalt  }
0x6a: {  	_ =	shalt  }
0x6b: {  	_ =	shalt  }
0x6c: {  	_ =	shalt  }
0x6d: {  	_ =	shalt  }
0x6e: {  	_ =	shalt  }
0x6f: {  	_ =	shalt  }
0x70: {  	_ =	shalt  }
0x71: {  	_ =	shalt  }
0x72: {  	_ =	shalt  }
0x73: {  	_ =	shalt  }
0x74: {  	_ =	shalt  }
0x75: {  	_ =	shalt  }
0x76: {  	_ =	shalt  }
0x77: {  	_ =	shalt  }
0x78: {  	_ =	shalt  }
0x79: {  	_ =	shalt  }
0x7a: {  	_ =	shalt  }
0x7b: {  	_ =	shalt  }
0x7c: {  	_ =	shalt  }
0x7d: {  	_ =	shalt  }
0x7e: {  	_ =	shalt  }
0x7f: {  	_ =	shalt  }
0x80: {  	_ =	shalt  }
0x81: {  	_ =	shalt  }
0x82: {  	_ =	shalt  }
0x83: {  	_ =	shalt  }
0x84: {  	_ =	shalt  }
0x85: {  	_ =	shalt  }
0x86: {  	_ =	shalt  }
0x87: {  	_ =	shalt  }
.Lfunc_end0:
.L_simem_size_0:
called_computation.2_lowered:
.L_overlay_start_0:
0x88: {  	s2 =	sld [smem:$0x3FD9]  }
0x89: {  	s3 =	sld [smem:$0x3FFE];
	_ =	sdelay $0x1  }
0x8a: {  	s1 =	srdreg.scid  }
0x8b: {  	s0 =	sand.u32 $0x1, s1  }
0x8c: {  	s16 =	sshll.u32 s0, $0xA;
	s2 =	sadd.s32 s3, s2  }
0x8d: {  	s2 =	sadd.s32 s2, s16  }
0x8e: {  	[smem:$0x3FC0] =	sst s2  }
0x8f: {  	_ = 	snop  }
0x90: {  	(tm) =	ssettm $0x1  }
0x91: {  	s17 =	sld [smem:$0x3FFB];
	_ =	sdelay $0x3  }
0x92: {  	_ =	strace s17  }
0x93: {  	s2 =	sld [smem:$0x3FFC];
	_ =	sdelay $0x3  }
0x94: {  	_ =	strace s2  }
0x95: {  	s2 =	sld [smem:$0x3FFD];
	_ =	sdelay $0x3  }
0x96: {  	_ =	strace s2  }
0x97: {  	_ =	strace $0x8FFFFFFF  }
0x98: {  	s18 =	sld [smem:$0x3FDB];
	_ =	sdelay $0x1  }
0x99: {  	s19 =	simm.s32 $_scs_section_size  }
0x9a: {  	s4 =	simm.s32 $_size__tile_overlayer_lowered;
	s5 =	simm.s32 $_tile_overlayer_lowered  }
0x9b: {  	s22 =	simm.s32 $0x1BFF;
	s21 =	sshll.u32 s5, $0x1;
	s2 =	sadd.s32 s19, s18  }
0x9c: {  	s6 =	simm.s32 $0x0;
	s20 =	sshll.u32 s4, $0x1;
	s4 =	sadd.s32 s21, s2  }
0x9d: {  	[timem:s6], [sflag:s22] =	dma.local [hbm:s4], s20  }
0x9e: {  	_ =	swait.ge [sflag:s22], s20  }
0x9f: {  	s3 =	ssub.s32 $0x0, s20;
	[sflag:s22] =	ssyncset.done $0x0  }
0xa0: {  	[sflag:s22] =	ssyncadd.s32 s3;
	_ =	sdelay $0x1  }
0xa1: {  	s23 =	simm.s32 $0x1B8B  }
0xa2: {  	_ =	swait.ge [sflag:s23], $0x1  }
0xa3: {  	[sflag:s23] =	ssyncset.done $0x0  }
0xa4: {  	s25 =	simm.s32 $0x1B8E;
	s24 =	sld [smem:$0x3FFE];
	[sflag:s23] =	ssyncadd.s32 $0xFFFFFFFF  }
0xa5: {  	s26 =	simm.s32 $execute0_lowered;
	[smem:$0x3FD2] =	sst s25  }
0xa6: {  	s4 =	sshll.u32 s26, $0x1;
	_ =	strace $0x8000004C;
	[dreg:$0x1] =	wrdreg $0xFFFFFFFF  }
0xa7: {  	s28 =	simm.s32 $_size_execute0_lowered;
	s2 =	sadd.s32 s2, s4;
	[dreg:$0x0] =	wrdreg $0x0  }
0xa8: {  	s4 =	sshll.u32 s28, $0x1;
	[dreg:$0x2] =	wrdreg s2  }
0xa9: {  	[dreg:$0x3] =	wrdreg s4  }
0xaa: {  	[dreg:$0x4] =	wrdreg $0xC0  }
0xab: {  	_ =	task [dreg:s6], $0x5FFFF  }
0xac: {  	[dreg:$0x1] =	wrdreg $0xFFFFFFFF  }
0xad: {  	[dreg:$0x0] =	wrdreg $0x60  }
0xae: {  	[dreg:$0x2] =	wrdreg s24  }
0xaf: {  	[dreg:$0x3] =	wrdreg $0x92000  }
0xb0: {  	[dreg:$0x4] =	wrdreg $0x9  }
0xb1: {  	_ =	task.clear_ibuf [dreg:s6], $0x5FFFF;
	_ =	strace $0x9000004C  }
0xb2: {  	s29 =	simm.s32 $0x9;
	_ =	strace $0x8000004E  }
0xb3: {  	_ =	swait.ge [sflag:s29], $0x1  }
0xb4: {  	[sflag:s29] =	ssyncadd.s32 $0xFFFFFFFF  }
0xb5: {  	_ =	strace $0x9000004E  }
0xb6: {  	_ =	sfence  }
0xb7: {  	s30 =	sld [smem:$0x0];
	_ =	sdelay $0x2  }
0xb8: {  	s31 =	sshll.u32 s1, $0xD;
	s1 =	sshrl.u32 s1, $0x2  }
0xb9: {  	s3 =	sand.u32 $0x4000, s31;
	s1 =	sadd.s32 s1, s30  }
0xba: {  	s0 =	sor.u32 s3, s0;
	s1 =	sshll.u32 s1, $0x11  }
0xbb: {  	s0 =	sor.u32 s1, s0  }
0xbc: {  	s0 =	sadd.s32 $0x8F2B, s0  }
0xbd: {  	[sflag:s0] =	ssyncadd.remote.s32 $0x1  }
0xbe: {  	_ =	sfence.sel $0xFFFF  }
0xbf: {  	[dreg:$0x0] =	wrdreg $0xFFFFFFFF;
	(pc) =	sbr.abs _section_cstart, $3  }
0xc0: {  	[dreg:$0x1] =	wrdreg $0xFFFFFFFF  }
0xc1: {  	_ =	task.clear_ibuf [dreg:s6], $0x2FFFF;
	_ =	strace $0x9FFFFFFF  }
0xc2: {  	(tm) =	ssettm $0x7FFFFFFF  }
0xc3: {  	_ =	shalt  }
tec
execute0_lowered:
.L_overlay_start_1:
0x0: {  	(tag) =	ssettag $0x1  }
0x1: {  	s0 =	rddreg [dreg:$0x0]  }
0x2: {  	s1 =	rddreg [dreg:$0x1];
	s2 =	srdreg.scid  }
0x3: {  	s3 =	simm.s32 $0x0;
	s13 =	stileid.u32;
	s28 =	simm.s32 $0x5200  }
0x4: {  	s29 =	simm.s32 $0x3;
	s30 =	simm.s32 $0x100;
	s31 =	simm.s32 $0x50  }
0x5: {  	s2 =	sand.u32 $0x1, s2;
	[smem:$0x7FF] =	sst s3;
	s10 =	smul.u32 $0x50000, s13  }
0x6: {  	s6 =	sadd.s32 $0xCA00, s0;
	s26 =	smul.u32 $0x14000, s13;
	s4 =	sshll.u32 s2, $0x4  }
0x7: {  	_ =	strace $0x8000004D;
	s7 =	ssub.s32 $0x2, s2;
	s25 =	smul.u32 $0x140000, s2  }
0x8: {  	s2 =	smul.u32 $0x27100, s2;
	s5 =	sor.u32 s13, s4;
	s4 =	sadd.s32 $0x16800, s0  }
0x9: {  	s9 =	sshrl.u32 s7, $0x1;
	s24 =	sshrl.u32 s10, $0x2;
	s17 =	sadd.s32 $0x4000, s26  }
0xa: {  	s20 =	sadd.s32 $0x8000, s26;
	s23 =	sadd.s32 $0xC000, s26;
	s8 =	smul.u32 $0x2710, s5  }
0xb: {  	s5 =	sadd.s32 $0x2C00, s0;
	s0 =	sadd.s32 $0x3DA00, s0;
	s9 =	ssub.s32 s7, s9  }
0xc: {  	s7 =	sadd.s32 s24, s1;
	s16 =	sadd.s32 s25, s26;
	s22 =	sadd.s32 s20, s1  }
0xd: {  	s18 =	sadd.s32 s25, s17;
	s12 =	smax.u32 s9, $0x1;
	[dreg:$0xc] =	wrdreg s22  }
0xe: {  	s21 =	sadd.s32 s25, s20;
	s14 =	sadd.s32 $0x4000, s7;
	[dreg:$0x5] =	wrdreg s12  }
0xf: {  	s24 =	smul.u32 $0x2710, s13;
	s15 =	sadd.s32 $0x8000, s7;
	[dreg:$0x6] =	wrdreg s14  }
0x10: {  	s19 =	sshrl.u32 s18, $0x3;
	s9 =	sadd.s32 s17, s1;
	[dreg:$0x7] =	wrdreg s15  }
0x11: {  	s8 =	sshrl.u32 s8, $0x3;
	s12 =	sadd.s32 $0xC000, s7;
	[dreg:$0xa] =	wrdreg s9  }
0x12: {  	s2 =	sadd.s32 s24, s2;
	s11 =	sadd.s32 s5, s8;
	[dreg:$0x8] =	wrdreg s12  }
0x13: {  	s8 =	sadd.s32 s6, s8;
	s9 =	sadd.s32 $0x50, s2;
	[dreg:$0x3] =	wrdreg s11  }
0x14: {  	s12 =	simm.s32 $0x0;
	[dreg:$0x4] =	wrdreg s8;
	s8 =	sshrl.u32 s16, $0x3  }
0x15: {  	s11 =	sadd.s32 $0x10000, s26;
	s26 =	sshrl.u32 s9, $0x3;
	s8 =	sadd.s32 s0, s8  }
0x16: {  	s9 =	simm.s32 $0x2A00;
	[dreg:$0x9] =	wrdreg s8;
	s8 =	sadd.s32 s0, s19  }
0x17: {  	s10 =	sadd.s32 s25, s11;
	[dreg:$0xb] =	wrdreg s8;
	s8 =	sshrl.u32 s21, $0x3  }
0x18: {  	s24 =	sadd.s32 s26, s6;
	s19 =	sadd.s32 s23, s1;
	s8 =	sadd.s32 s0, s8  }
0x19: {  	s21 =	sadd.s32 s11, s1;
	s11 =	simm.s32 $0x2;
	[dreg:$0xd] =	wrdreg s8  }
0x1a: {  	s8 =	sadd.s32 s25, s23;
	s25 =	sshrl.u32 s10, $0x3;
	s23 =	sadd.s32 $0xA0, s2  }
0x1b: {  	s2 =	simm.s32 $0x80;
	s10 =	simm.s32 $0x1;
	s8 =	sshrl.u32 s8, $0x3  }
0x1c: {  	s22 =	sadd.s32 s0, s25;
	s25 =	sadd.s32 s26, s5;
	s26 =	sadd.s32 $0x10000, s7  }
0x1d: {  	v0 =	vimm.f32 $0.0e+00;
	s20 =	sadd.s32 s0, s8;
	s0 =	simm.s32 $0x200;
	s8 =	simm.s32 $0x180  }
.LBB2_1:
0x1e: {  	s13 =	simm.s32 $0x0;
	s14 =	simm.s32 $0x200  }
.LBB2_2:
0x1f: {  	p0 =	sne.s32 s14, $0xFE00;
	[tilespmem:s13+$0x5270] =	vst v0  }
0x20: {  	[tilespmem:s13+$0x5200] =	vst v0  }
0x21: {  	[tilespmem:s13+$0x5210] =	vst v0  }
.Ltmp0:
0x22: {  	[tilespmem:s13+$0x5220] =	vst v0;
	(pc) =	sbr.rel @p0 .LBB2_2-.Ltmp0, $4  }
0x23: {  	[tilespmem:s13+$0x5230] =	vst v0  }
0x24: {  	[tilespmem:s13+$0x5240] =	vst v0  }
0x25: {  	[tilespmem:s13+$0x5250] =	vst v0  }
0x26: {  	[tilespmem:s13+$0x5260] =	vst v0;
	s13 =	sshra.s32 s14, $0x2;
	s14 =	sadd.s32 $0x200, s14  }
0x27: {  	[tilespmem:s13+$0x5270] =	vst v0  }
0x28: {  	[tilespmem:s13+$0x5200] =	vst v0  }
0x29: {  	[tilespmem:s13+$0x5210] =	vst v0  }
0x2a: {  	[tilespmem:s13+$0x5220] =	vst v0  }
0x2b: {  	[tilespmem:s13+$0x5230] =	vst v0  }
0x2c: {  	[tilespmem:s13+$0x5240] =	vst v0  }
0x2d: {  	[tilespmem:s13+$0x5250] =	vst v0  }
0x2e: {  	[tilespmem:s13+$0x5260] =	vst v0  }
0x2f: {  	[spmem:s7] =	stream.linear.scatter [tilespmem:s28], [sflag:$0x3], $0x4000, $0x38;
	[tilespmem:$0x1D200] =	vst v63  }
0x30: {  	_ =	swait.ge [sflag:s29], $0x4000  }
0x31: {  	[sflag:s29] =	ssyncset.done $0x0  }
0x32: {  	s14 =	rddreg [dreg:$0x6];
	[sflag:s29] =	ssyncadd.s32 $0xFFFFC000  }
0x33: {  	[spmem:s14] =	stream.linear.scatter [tilespmem:s28], [sflag:$0x3], $0x4000, $0x38;
	[tilespmem:$0x1D200] =	vst v63  }
0x34: {  	_ =	swait.ge [sflag:s29], $0x4000  }
0x35: {  	[sflag:s29] =	ssyncset.done $0x0  }
0x36: {  	s15 =	rddreg [dreg:$0x7];
	[sflag:s29] =	ssyncadd.s32 $0xFFFFC000  }
0x37: {  	[spmem:s15] =	stream.linear.scatter [tilespmem:s28], [sflag:$0x3], $0x4000, $0x38;
	[tilespmem:$0x1D200] =	vst v63  }
0x38: {  	_ =	swait.ge [sflag:s29], $0x4000  }
0x39: {  	[sflag:s29] =	ssyncset.done $0x0  }
0x3a: {  	s16 =	rddreg [dreg:$0x8];
	[sflag:s29] =	ssyncadd.s32 $0xFFFFC000  }
0x3b: {  	[spmem:s16] =	stream.linear.scatter [tilespmem:s28], [sflag:$0x3], $0x4000, $0x38;
	[tilespmem:$0x1D200] =	vst v63  }
0x3c: {  	_ =	swait.ge [sflag:s29], $0x4000  }
0x3d: {  	[sflag:s29] =	ssyncset.done $0x0  }
0x3e: {  	[sflag:s29] =	ssyncadd.s32 $0xFFFFC000  }
0x3f: {  	[spmem:s26] =	stream.linear.scatter [tilespmem:s28], [sflag:$0x3], $0x4000, $0x38;
	[tilespmem:$0x1D200] =	vst v63  }
0x40: {  	_ =	swait.ge [sflag:s29], $0x4000  }
0x41: {  	[sflag:s29] =	ssyncset.done $0x0  }
0x42: {  	[sflag:s29] =	ssyncadd.s32 $0xFFFFC000  }
0x43: {  	[bflag:$0x0] =	sbarrier.arrive $0xFFFF  }
0x44: {  	s17 =	simm.s32 $0x0;
	s14 =	rddreg [dreg:$0x3]  }
0x45: {  	[tilespmem:s17], [sflag:$0x3] =	stream.linear.gather [hbm4b:s14+s17], $0x50, $0x38;
	[tilespmem:$0x1D200] =	vst v63  }
0x46: {  	_ =	swait.ge [sflag:s29], $0x50  }
0x47: {  	[sflag:s29] =	ssyncset.done $0x0  }
0x48: {  	s18 =	rddreg [dreg:$0x4];
	[sflag:s29] =	ssyncadd.s32 $0xFFFFFFB0  }
0x49: {  	[tilespmem:s30], [sflag:$0x3] =	stream.linear.gather [hbm4b:s18+s17], $0x50, $0x38;
	[tilespmem:$0x1D200] =	vst v63  }
0x4a: {  	_ =	swait.ge [sflag:s29], $0x50  }
0x4b: {  	[sflag:s29] =	ssyncset.done $0x0  }
0x4c: {  	[sflag:s29] =	ssyncadd.s32 $0xFFFFFFB0  }
0x4d: {  	[tilespmem:s0], [sflag:$0x1] =	stream.indirect.gather [hbm4b:s4+s31], $0x80, s17, s31, $0xb8;
	[tilespmem:$0x1D200] =	vst v63  }
0x4e: {  	s15 =	sadd.s32 $0x0, s25  }
0x4f: {  	[tilespmem:s2], [sflag:$0x3] =	stream.linear.gather [hbm4b:s15+s3], $0x50, $0x38;
	[tilespmem:$0x1D200] =	vst v63  }
0x50: {  	_ =	swait.ge [sflag:s29], $0x50  }
0x51: {  	[sflag:s29] =	ssyncset.done $0x0  }
0x52: {  	s16 =	sadd.s32 $0x0, s24;
	[sflag:s29] =	ssyncadd.s32 $0xFFFFFFB0  }
0x53: {  	[tilespmem:s8], [sflag:$0x3] =	stream.linear.gather [hbm4b:s16+s3], $0x50, $0x38;
	[tilespmem:$0x1D200] =	vst v63  }
0x54: {  	_ =	swait.ge [sflag:s29], $0x50  }
0x55: {  	[sflag:s29] =	ssyncset.done $0x0  }
0x56: {  	[sflag:s29] =	ssyncadd.s32 $0xFFFFFFB0  }
0x57: {  	[tilespmem:s9], [sflag:$0x2] =	stream.indirect.gather [hbm4b:s4+s31], $0x80, s2, s31, $0xb8;
	[tilespmem:$0x1D200] =	vst v63  }
0x58: {  	_ =	swait.ge [sflag:s10], $0x2800  }
0x59: {  	[sflag:s10] =	ssyncset.done $0x0  }
0x5a: {  	[sflag:s10] =	ssyncadd.s32 $0xFFFFD800  }
0x5b: {  	[spmem:s1] =	stream.indirect.scatter.add.f32 [tilespmem:s0], [sflag:$0x3], $0x80, s30, s31, $0xb8;
	[tilespmem:$0x1D200] =	vst v63  }
0x5c: {  	_ =	swait.ge [sflag:s29], $0x2800  }
0x5d: {  	s17 =	sshrl.u32 s23, $0x3;
	[sflag:s29] =	ssyncset.done $0x0  }
0x5e: {  	s18 =	sadd.s32 s5, s17;
	[sflag:s29] =	ssyncadd.s32 $0xFFFFD800  }
0x5f: {  	[tilespmem:s3], [sflag:$0x3] =	stream.linear.gather [hbm4b:s18+s3], $0x50, $0x38;
	[tilespmem:$0x1D200] =	vst v63  }
0x60: {  	_ =	swait.ge [sflag:s29], $0x50  }
0x61: {  	[sflag:s29] =	ssyncset.done $0x0  }
0x62: {  	s13 =	sadd.s32 s6, s17;
	[sflag:s29] =	ssyncadd.s32 $0xFFFFFFB0  }
0x63: {  	[tilespmem:s30], [sflag:$0x3] =	stream.linear.gather [hbm4b:s13+s3], $0x50, $0x38;
	[tilespmem:$0x1D200] =	vst v63  }
0x64: {  	_ =	swait.ge [sflag:s29], $0x50  }
0x65: {  	[sflag:s29] =	ssyncset.done $0x0  }
0x66: {  	[sflag:s29] =	ssyncadd.s32 $0xFFFFFFB0  }
0x67: {  	[tilespmem:s0], [sflag:$0x1] =	stream.indirect.gather [hbm4b:s4+s31], $0x80, s3, s31, $0xb8;
	[tilespmem:$0x1D200] =	vst v63  }
0x68: {  	_ =	swait.ge [sflag:s11], $0x2800  }
0x69: {  	[sflag:s11] =	ssyncset.done $0x0  }
0x6a: {  	[sflag:s11] =	ssyncadd.s32 $0xFFFFD800  }
0x6b: {  	[spmem:s1] =	stream.indirect.scatter.add.f32 [tilespmem:s9], [sflag:$0x3], $0x80, s8, s31, $0xb8;
	[tilespmem:$0x1D200] =	vst v63  }
0x6c: {  	s14 =	simm.s32 $0x14;
	_ =	swait.ge [sflag:s29], $0x2800  }
0x6d: {  	s15 =	simm.s32 $0x28;
	s13 =	sadd.s32 $0xA0, s23;
	[sflag:s29] =	ssyncset.done $0x0  }
.LBB2_4:
0x6e: {  	s17 =	sadd.s32 s14, s25  }
0x6f: {  	[sflag:s29] =	ssyncadd.s32 $0xFFFFD800;
	s18 =	smov.u32 s15;
	s16 =	sadd.s32 $0x14, s15  }
0x70: {  	[tilespmem:s2], [sflag:$0x3] =	stream.linear.gather [hbm4b:s17+s3], $0x50, $0x38;
	[tilespmem:$0x1D200] =	vst v63  }
0x71: {  	p0 =	sne.s32 s15, $0x4C4;
	_ =	swait.ge [sflag:s29], $0x50  }
0x72: {  	[sflag:s29] =	ssyncset.done $0x0  }
0x73: {  	s15 =	sadd.s32 s14, s24;
	s14 =	smov.u32 s18;
	[sflag:s29] =	ssyncadd.s32 $0xFFFFFFB0  }
0x74: {  	[tilespmem:s8], [sflag:$0x3] =	stream.linear.gather [hbm4b:s15+s3], $0x50, $0x38;
	[tilespmem:$0x1D200] =	vst v63  }
0x75: {  	_ =	swait.ge [sflag:s29], $0x50  }
0x76: {  	[sflag:s29] =	ssyncset.done $0x0  }
0x77: {  	[sflag:s29] =	ssyncadd.s32 $0xFFFFFFB0  }
0x78: {  	[tilespmem:s9], [sflag:$0x2] =	stream.indirect.gather [hbm4b:s4+s31], $0x80, s2, s31, $0xb8;
	[tilespmem:$0x1D200] =	vst v63  }
0x79: {  	_ =	swait.ge [sflag:s10], $0x2800  }
0x7a: {  	[sflag:s10] =	ssyncset.done $0x0  }
0x7b: {  	[sflag:s10] =	ssyncadd.s32 $0xFFFFD800  }
0x7c: {  	[spmem:s1] =	stream.indirect.scatter.add.f32 [tilespmem:s0], [sflag:$0x3], $0x80, s30, s31, $0xb8;
	[tilespmem:$0x1D200] =	vst v63  }
0x7d: {  	_ =	swait.ge [sflag:s29], $0x2800  }
0x7e: {  	s15 =	sshrl.u32 s13, $0x3;
	[sflag:s29] =	ssyncset.done $0x0  }
0x7f: {  	s17 =	sadd.s32 s5, s15;
	[sflag:s29] =	ssyncadd.s32 $0xFFFFD800  }
0x80: {  	[tilespmem:s3], [sflag:$0x3] =	stream.linear.gather [hbm4b:s17+s3], $0x50, $0x38;
	[tilespmem:$0x1D200] =	vst v63  }
0x81: {  	_ =	swait.ge [sflag:s29], $0x50  }
0x82: {  	[sflag:s29] =	ssyncset.done $0x0  }
0x83: {  	s15 =	sadd.s32 s6, s15;
	[sflag:s29] =	ssyncadd.s32 $0xFFFFFFB0  }
0x84: {  	[tilespmem:s30], [sflag:$0x3] =	stream.linear.gather [hbm4b:s15+s3], $0x50, $0x38;
	[tilespmem:$0x1D200] =	vst v63  }
0x85: {  	_ =	swait.ge [sflag:s29], $0x50  }
0x86: {  	[sflag:s29] =	ssyncset.done $0x0  }
0x87: {  	[sflag:s29] =	ssyncadd.s32 $0xFFFFFFB0  }
0x88: {  	[tilespmem:s0], [sflag:$0x1] =	stream.indirect.gather [hbm4b:s4+s31], $0x80, s3, s31, $0xb8;
	[tilespmem:$0x1D200] =	vst v63  }
0x89: {  	_ =	swait.ge [sflag:s11], $0x2800  }
.Ltmp1:
0x8a: {  	[sflag:s11] =	ssyncset.done $0x0;
	(pc) =	sbr.rel @p0 .LBB2_4-.Ltmp1, $4  }
0x8b: {  	[sflag:s11] =	ssyncadd.s32 $0xFFFFD800  }
0x8c: {  	[spmem:s1] =	stream.indirect.scatter.add.f32 [tilespmem:s9], [sflag:$0x3], $0x80, s8, s31, $0xb8;
	[tilespmem:$0x1D200] =	vst v63  }
0x8d: {  	_ =	swait.ge [sflag:s29], $0x2800  }
0x8e: {  	s13 =	sadd.s32 $0xA0, s13;
	s15 =	smov.u32 s16;
	[sflag:s29] =	ssyncset.done $0x0  }
0x8f: {  	s15 =	sadd.s32 s14, s25;
	[sflag:s29] =	ssyncadd.s32 $0xFFFFD800  }
0x90: {  	[tilespmem:s2], [sflag:$0x3] =	stream.linear.gather [hbm4b:s15+s3], $0x50, $0x38;
	[tilespmem:$0x1D200] =	vst v63  }
0x91: {  	_ =	swait.ge [sflag:s29], $0x50  }
0x92: {  	[sflag:s29] =	ssyncset.done $0x0  }
0x93: {  	s16 =	sadd.s32 s14, s24;
	[sflag:s29] =	ssyncadd.s32 $0xFFFFFFB0  }
0x94: {  	[tilespmem:s8], [sflag:$0x3] =	stream.linear.gather [hbm4b:s16+s3], $0x50, $0x38;
	[tilespmem:$0x1D200] =	vst v63  }
0x95: {  	_ =	swait.ge [sflag:s29], $0x50  }
0x96: {  	[sflag:s29] =	ssyncset.done $0x0  }
0x97: {  	[sflag:s29] =	ssyncadd.s32 $0xFFFFFFB0  }
0x98: {  	[tilespmem:s9], [sflag:$0x2] =	stream.indirect.gather [hbm4b:s4+s31], $0x80, s2, s31, $0xb8;
	[tilespmem:$0x1D200] =	vst v63  }
0x99: {  	_ =	swait.ge [sflag:s10], $0x2800  }
0x9a: {  	[sflag:s10] =	ssyncset.done $0x0  }
0x9b: {  	[sflag:s10] =	ssyncadd.s32 $0xFFFFD800  }
0x9c: {  	[spmem:s1] =	stream.indirect.scatter.add.f32 [tilespmem:s0], [sflag:$0x3], $0x80, s30, s31, $0xb8;
	[tilespmem:$0x1D200] =	vst v63  }
0x9d: {  	_ =	swait.ge [sflag:s29], $0x2800  }
0x9e: {  	s13 =	sshrl.u32 s13, $0x3;
	[sflag:s29] =	ssyncset.done $0x0  }
0x9f: {  	s17 =	sadd.s32 s5, s13;
	[sflag:s29] =	ssyncadd.s32 $0xFFFFD800  }
0xa0: {  	[tilespmem:s3], [sflag:$0x3] =	stream.linear.gather [hbm4b:s17+s3], $0x50, $0x38;
	[tilespmem:$0x1D200] =	vst v63  }
0xa1: {  	_ =	swait.ge [sflag:s29], $0x50  }
0xa2: {  	[sflag:s29] =	ssyncset.done $0x0  }
0xa3: {  	s13 =	sadd.s32 s6, s13;
	[sflag:s29] =	ssyncadd.s32 $0xFFFFFFB0  }
0xa4: {  	[tilespmem:s30], [sflag:$0x3] =	stream.linear.gather [hbm4b:s13+s3], $0x50, $0x38;
	[tilespmem:$0x1D200] =	vst v63  }
0xa5: {  	_ =	swait.ge [sflag:s29], $0x50  }
0xa6: {  	[sflag:s29] =	ssyncset.done $0x0  }
0xa7: {  	[sflag:s29] =	ssyncadd.s32 $0xFFFFFFB0  }
0xa8: {  	[tilespmem:s0], [sflag:$0x1] =	stream.indirect.gather [hbm4b:s4+s31], $0x80, s3, s31, $0xb8;
	[tilespmem:$0x1D200] =	vst v63  }
0xa9: {  	_ =	swait.ge [sflag:s11], $0x2800  }
0xaa: {  	[sflag:s11] =	ssyncset.done $0x0  }
0xab: {  	[sflag:s11] =	ssyncadd.s32 $0xFFFFD800  }
0xac: {  	[spmem:s1] =	stream.indirect.scatter.add.f32 [tilespmem:s9], [sflag:$0x3], $0x80, s8, s31, $0xb8;
	[tilespmem:$0x1D200] =	vst v63  }
0xad: {  	_ =	swait.ge [sflag:s29], $0x2800  }
0xae: {  	[sflag:s29] =	ssyncset.done $0x0  }
0xaf: {  	[sflag:s29] =	ssyncadd.s32 $0xFFFFD800  }
0xb0: {  	_ =	swait.ge [sflag:s10], $0x2800  }
0xb1: {  	[sflag:s10] =	ssyncset.done $0x0  }
0xb2: {  	[sflag:s10] =	ssyncadd.s32 $0xFFFFD800  }
0xb3: {  	[spmem:s1] =	stream.indirect.scatter.add.f32 [tilespmem:s0], [sflag:$0x3], $0x80, s30, s31, $0xb8;
	[tilespmem:$0x1D200] =	vst v63  }
0xb4: {  	_ =	swait.ge [sflag:s29], $0x2800  }
0xb5: {  	[sflag:s29] =	ssyncset.done $0x0  }
0xb6: {  	[sflag:s29] =	ssyncadd.s32 $0xFFFFD800  }
0xb7: {  	[bflag:$0x0] =	sbarrier.arrive $0xFFFF  }
0xb8: {  	[tilespmem:s28], [sflag:$0x3] =	stream.linear.gather [spmem:s7], $0x4000, $0x38;
	[tilespmem:$0x1D200] =	vst v63  }
0xb9: {  	_ =	swait.ge [sflag:s29], $0x4000  }
0xba: {  	[sflag:s29] =	ssyncset.done $0x0  }
0xbb: {  	s18 =	rddreg [dreg:$0x9];
	[sflag:s29] =	ssyncadd.s32 $0xFFFFC000  }
0xbc: {  	[hbm4b:s18+s3] =	stream.linear.scatter [tilespmem:s28], [sflag:$0x3], $0x4000, $0x38;
	[tilespmem:$0x1D200] =	vst v63  }
0xbd: {  	_ =	swait.ge [sflag:s29], $0x4000  }
0xbe: {  	[sflag:s29] =	ssyncset.done $0x0  }
0xbf: {  	s14 =	rddreg [dreg:$0xa];
	[sflag:s29] =	ssyncadd.s32 $0xFFFFC000  }
0xc0: {  	[tilespmem:s28], [sflag:$0x3] =	stream.linear.gather [spmem:s14], $0x4000, $0x38;
	[tilespmem:$0x1D200] =	vst v63  }
0xc1: {  	_ =	swait.ge [sflag:s29], $0x4000  }
0xc2: {  	[sflag:s29] =	ssyncset.done $0x0  }
0xc3: {  	s15 =	rddreg [dreg:$0xb];
	[sflag:s29] =	ssyncadd.s32 $0xFFFFC000  }
0xc4: {  	[hbm4b:s15+s3] =	stream.linear.scatter [tilespmem:s28], [sflag:$0x3], $0x4000, $0x38;
	[tilespmem:$0x1D200] =	vst v63  }
0xc5: {  	_ =	swait.ge [sflag:s29], $0x4000  }
0xc6: {  	[sflag:s29] =	ssyncset.done $0x0  }
0xc7: {  	s16 =	rddreg [dreg:$0xc];
	[sflag:s29] =	ssyncadd.s32 $0xFFFFC000  }
0xc8: {  	[tilespmem:s28], [sflag:$0x3] =	stream.linear.gather [spmem:s16], $0x4000, $0x38;
	[tilespmem:$0x1D200] =	vst v63  }
0xc9: {  	_ =	swait.ge [sflag:s29], $0x4000  }
0xca: {  	[sflag:s29] =	ssyncset.done $0x0  }
0xcb: {  	s17 =	rddreg [dreg:$0xd];
	[sflag:s29] =	ssyncadd.s32 $0xFFFFC000  }
0xcc: {  	[hbm4b:s17+s3] =	stream.linear.scatter [tilespmem:s28], [sflag:$0x3], $0x4000, $0x38;
	[tilespmem:$0x1D200] =	vst v63  }
0xcd: {  	_ =	swait.ge [sflag:s29], $0x4000  }
0xce: {  	[sflag:s29] =	ssyncset.done $0x0  }
0xcf: {  	[sflag:s29] =	ssyncadd.s32 $0xFFFFC000  }
0xd0: {  	[tilespmem:s28], [sflag:$0x3] =	stream.linear.gather [spmem:s19], $0x4000, $0x38;
	[tilespmem:$0x1D200] =	vst v63  }
0xd1: {  	_ =	swait.ge [sflag:s29], $0x4000  }
0xd2: {  	[sflag:s29] =	ssyncset.done $0x0  }
0xd3: {  	[sflag:s29] =	ssyncadd.s32 $0xFFFFC000  }
0xd4: {  	[hbm4b:s20+s3] =	stream.linear.scatter [tilespmem:s28], [sflag:$0x3], $0x4000, $0x38;
	[tilespmem:$0x1D200] =	vst v63  }
0xd5: {  	_ =	swait.ge [sflag:s29], $0x4000  }
0xd6: {  	[sflag:s29] =	ssyncset.done $0x0  }
0xd7: {  	[sflag:s29] =	ssyncadd.s32 $0xFFFFC000  }
0xd8: {  	[tilespmem:s28], [sflag:$0x3] =	stream.linear.gather [spmem:s21], $0x4000, $0x38;
	[tilespmem:$0x1D200] =	vst v63  }
0xd9: {  	_ =	swait.ge [sflag:s29], $0x4000  }
0xda: {  	[sflag:s29] =	ssyncset.done $0x0  }
0xdb: {  	[sflag:s29] =	ssyncadd.s32 $0xFFFFC000  }
0xdc: {  	[hbm4b:s22+s3] =	stream.linear.scatter [tilespmem:s28], [sflag:$0x3], $0x4000, $0x38;
	[tilespmem:$0x1D200] =	vst v63  }
0xdd: {  	_ =	swait.ge [sflag:s29], $0x4000  }
0xde: {  	s12 =	sadd.s32 $0x1, s12;
	s18 =	rddreg [dreg:$0x5]  }
0xdf: {  	p0 =	sne.s32 s12, s18  }
.Ltmp2:
0xe0: {  	_ = 	snop;
	(pc) =	sbr.rel @p0 .LBB2_1-.Ltmp2, $3  }
0xe1: {  	_ =	sdelay $0x1  }
0xe2: {  	[sflag:s29] =	ssyncset.done $0x0  }
0xe3: {  	[sflag:s29] =	ssyncadd.s32 $0xFFFFC000  }
0xe4: {  	_ =	sfence.sel $0x180000  }
0xe5: {  	[bflag:$0x0] =	sbarrier.arrive $0xFFFF  }
0xe6: {  	_ =	strace $0x9000004D  }
0xe7: {  	s0 =	stileid.u32;
	[bflag:$0x2] =	sbarrier.arrive $0xFFFF  }
0xe8: {  	p0 =	sne.s32 s0, $0x0;
	s0 =	rddreg [dreg:$0x2]  }
0xe9: {  	s0 =	sadd.s32 @!p0 $0x100000, s0  }
0xea: {  	[sflag:s0] =	ssyncadd.tile.s32 @!p0 $0x1;
	_ =	shalt  }
.Lfunc_end2:
_tile_overlayer_lowered:
.L_overlay_start_2:
0xeb: {  	(tag) =	ssettag $0x2  }
0xec: {  	s0 =	rddreg [dreg:$0x0];
	s2 =	stileid.u32  }
0xed: {  	s1 =	rddreg [dreg:$0x1];
	p0 =	sne.s32 s2, $0x0  }
0xee: {  	s3 =	rddreg [dreg:$0x2];
	[bflag:$0x3] =	sbarrier.arrive $0xFFFF;
	s2 =	simm.s32 @!p0 $0x1C03  }
0xef: {  	[timem:s3], [sflag:s2] =	dma.local @!p0 [hbm:s0], s1  }
0xf0: {  	s0 =	simm.s32 @!p0 $0x3  }
0xf1: {  	_ =	swait.ge @!p0 [sflag:s0], s1  }
0xf2: {  	s1 =	ssub.s32 @!p0 $0x0, s1;
	[sflag:s0] =	ssyncset.done @!p0 $0x0  }
0xf3: {  	[sflag:s0] =	ssyncadd.s32 @!p0 s1  }
0xf4: {  	[bflag:$0x3] =	sbarrier.arrive $0xFFFF  }
0xf5: {  	_ =	shalt  }

// kernel: kernel.8.cloned.1.call-start
scs
__scs_entry_jumppad:
0x0: {  	(pc) =	sbr.rel $0x88, $3  }
0x1: {  	(tag) =	ssettag $0x0;
	lr =	simm.s32 $0x1  }
0x2: {  	[smem:$0x3F99] =	sst lr;
	_ =	strace $0xD0000000  }
0x3: {  	_ = 	snop  }
0x4: {  	_ = 	snop  }
0x5: {  	_ = 	snop  }
0x6: {  	_ = 	snop  }
0x7: {  	_ = 	snop  }
__scs_overlays_trampoline_lowered:
0x8: {  	[smem:$0x3FA8] =	sst s0  }
0x9: {  	[smem:$0x3FA9] =	sst s1  }
0xa: {  	[smem:$0x3FAA] =	sst s2  }
0xb: {  	[smem:$0x3FAB] =	sst s3  }
0xc: {  	[smem:$0x3FAC] =	sst s4  }
0xd: {  	[smem:$0x3FAD] =	sst s5  }
0xe: {  	[smem:$0x3FAE] =	sst s6  }
0xf: {  	[smem:$0x3FAF] =	sst s7  }
0x10: {  	[smem:$0x3FB0] =	sst s8  }
0x11: {  	[smem:$0x3FB1] =	sst s9;
	s0 =	simm.s32 @!p0 $0x0  }
0x12: {  	s1 =	sld [smem:$0x3F97];
	s0 =	simm.s32 @p0 $0x1  }
0x13: {  	[smem:$0x3FB2] =	sst s0;
	s0 =	simm.s32 @!p1 $0x0  }
0x14: {  	s2 =	sld [smem:$0x3F96];
	s0 =	simm.s32 @p1 $0x1  }
0x15: {  	[smem:$0x3FB3] =	sst s0;
	s0 =	simm.s32 @!p2 $0x0  }
0x16: {  	s3 =	sld [smem:$0x3FDB];
	s0 =	simm.s32 @p2 $0x1  }
0x17: {  	s4 =	simm.s32 $0x1BF5;
	[smem:$0x3FB5] =	sst s0  }
0x18: {  	s0 =	sld [smem:$0x3F98];
	_ =	swait.ge [sflag:s4], $0x0  }
0x19: {  	s7 =	sld [smem:$0x3F99]  }
0x1a: {  	s8 =	sadd.s32 $0xFFFFE003, lr  }
0x1b: {  	s9 =	sadd.s32 $0xFFFFFEF7, lr;
	s5 =	simm.s32 $0xFFFFFFFF;
	p2 =	slt.u32 s8, $0xFFFFF086  }
0x1c: {  	p1 =	slt.u32 s9, $0xF7A;
	s5 =	simm.s32 @!p2 $0x0  }
0x1d: {  	s5 =	simm.s32 @p1 $0x1;
	p0 =	seq.s32 s7, s2  }
0x1e: {  	s7 =	smul.u32 @!p0 $0xF7A, s2;
	p2 =	seq.s32 @!p0 s5, $0x0  }
0x1f: {  	s9 =	smul.u32 $0xF7A, s1;
	s8 =	simm.s32 @!p0 $0x1BF5;
	p2 =	por !p2, p0  }
0x20: {  	[sflag:s8] =	ssyncset.s32 @!p0 $0xFFFFF086;
	s6 =	sadd.s32 @!p0 s3, s7;
	s7 =	simm.s32 @!p0 $0x108  }
0x21: {  	s3 =	sadd.s32 s3, s9;
	s6 =	sadd.s32 @!p0 $0x88, s6;
	s7 =	simm.s32 @p2 $0x1082  }
0x22: {  	[simem:s7], [sflag:s8] =	dma.local @!p0 [hbm:s6], $0xF7A  }
0x23: {  	s9 =	sor.u32 $0xD0000000, s2;
	s6 =	simm.s32 $0x108;
	_ =	swait.ge @!p0 [sflag:s8], $0x0  }
0x24: {  	s3 =	sadd.s32 $0x88, s3;
	s6 =	simm.s32 @!p1 $0x1082;
	[sflag:s4] =	ssyncset.s32 $0xFFFFF086  }
0x25: {  	[simem:s6], [sflag:s4] =	dma.local [hbm:s3], $0xF7A  }
0x26: {  	[smem:$0x3F99] =	sst s1;
	(tag) =	ssettag s2;
	_ =	strace s9  }
0x27: {  	s1 =	sld [smem:$0x3FA9]  }
0x28: {  	s2 =	sld [smem:$0x3FAA]  }
0x29: {  	s4 =	sld [smem:$0x3FAC]  }
0x2a: {  	p0 =	seq.s32 s5, $0x0;
	s5 =	sld [smem:$0x3FAD]  }
0x2b: {  	s6 =	sld [smem:$0x3FAE]  }
0x2c: {  	s7 =	sld [smem:$0x3FAF]  }
0x2d: {  	s3 =	simm.s32 $0x108;
	s8 =	sld [smem:$0x3FB0]  }
0x2e: {  	s3 =	simm.s32 @!p0 $0x1082;
	s9 =	sld [smem:$0x3FB1]  }
0x2f: {  	lr =	sadd.s32 s0, s3;
	s0 =	sld [smem:$0x3FA8]  }
0x30: {  	s3 =	sld [smem:$0x3FAB]  }
0x31: {  	[smem:$0x3FB4] =	sst s10  }
0x32: {  	s10 =	sld [smem:$0x3FB2];
	_ =	sdelay $0x3  }
0x33: {  	p0 =	seq.s32 s10, $0x1;
	s10 =	sld [smem:$0x3FB4];
	_ =	sdelay $0x3  }
0x34: {  	[smem:$0x3FB4] =	sst s10  }
0x35: {  	s10 =	sld [smem:$0x3FB3];
	_ =	sdelay $0x3  }
0x36: {  	p1 =	seq.s32 s10, $0x1;
	s10 =	sld [smem:$0x3FB4];
	_ =	sdelay $0x3  }
0x37: {  	[smem:$0x3FB4] =	sst s10  }
0x38: {  	s10 =	sld [smem:$0x3FB5]  }
0x39: {  	_ = 	snop;
	(pc) =	sbr.ind lr, $3  }
0x3a: {  	_ = 	snop  }
0x3b: {  	_ = 	snop  }
0x3c: {  	p2 =	seq.s32 s10, $0x1;
	s10 =	sld [smem:$0x3FB4]  }
0x3d: {  	_ =	shalt  }
0x3e: {  	_ =	shalt  }
0x3f: {  	_ =	shalt  }
0x40: {  	_ =	shalt  }
0x41: {  	_ =	shalt  }
0x42: {  	_ =	shalt  }
0x43: {  	_ =	shalt  }
0x44: {  	_ =	shalt  }
0x45: {  	_ =	shalt  }
0x46: {  	_ =	shalt  }
0x47: {  	_ =	shalt  }
0x48: {  	_ =	shalt  }
0x49: {  	_ =	shalt  }
0x4a: {  	_ =	shalt  }
0x4b: {  	_ =	shalt  }
0x4c: {  	_ =	shalt  }
0x4d: {  	_ =	shalt  }
0x4e: {  	_ =	shalt  }
0x4f: {  	_ =	shalt  }
0x50: {  	_ =	shalt  }
0x51: {  	_ =	shalt  }
0x52: {  	_ =	shalt  }
0x53: {  	_ =	shalt  }
0x54: {  	_ =	shalt  }
0x55: {  	_ =	shalt  }
0x56: {  	_ =	shalt  }
0x57: {  	_ =	shalt  }
0x58: {  	_ =	shalt  }
0x59: {  	_ =	shalt  }
0x5a: {  	_ =	shalt  }
0x5b: {  	_ =	shalt  }
0x5c: {  	_ =	shalt  }
0x5d: {  	_ =	shalt  }
0x5e: {  	_ =	shalt  }
0x5f: {  	_ =	shalt  }
0x60: {  	_ =	shalt  }
0x61: {  	_ =	shalt  }
0x62: {  	_ =	shalt  }
0x63: {  	_ =	shalt  }
0x64: {  	_ =	shalt  }
0x65: {  	_ =	shalt  }
0x66: {  	_ =	shalt  }
0x67: {  	_ =	shalt  }
0x68: {  	_ =	shalt  }
0x69: {  	_ =	shalt  }
0x6a: {  	_ =	shalt  }
0x6b: {  	_ =	shalt  }
0x6c: {  	_ =	shalt  }
0x6d: {  	_ =	shalt  }
0x6e: {  	_ =	shalt  }
0x6f: {  	_ =	shalt  }
0x70: {  	_ =	shalt  }
0x71: {  	_ =	shalt  }
0x72: {  	_ =	shalt  }
0x73: {  	_ =	shalt  }
0x74: {  	_ =	shalt  }
0x75: {  	_ =	shalt  }
0x76: {  	_ =	shalt  }
0x77: {  	_ =	shalt  }
0x78: {  	_ =	shalt  }
0x79: {  	_ =	shalt  }
0x7a: {  	_ =	shalt  }
0x7b: {  	_ =	shalt  }
0x7c: {  	_ =	shalt  }
0x7d: {  	_ =	shalt  }
0x7e: {  	_ =	shalt  }
0x7f: {  	_ =	shalt  }
0x80: {  	_ =	shalt  }
0x81: {  	_ =	shalt  }
0x82: {  	_ =	shalt  }
0x83: {  	_ =	shalt  }
0x84: {  	_ =	shalt  }
0x85: {  	_ =	shalt  }
0x86: {  	_ =	shalt  }
0x87: {  	_ =	shalt  }
.Lfunc_end0:
.L_simem_size_0:
called_computation_lowered:
.L_overlay_start_0:
0x88: {  	s2 =	sld [smem:$0x3FD9]  }
0x89: {  	s3 =	sld [smem:$0x3FFE];
	_ =	sdelay $0x1  }
0x8a: {  	s1 =	srdreg.scid  }
0x8b: {  	s0 =	sand.u32 $0x1, s1  }
0x8c: {  	s16 =	sshll.u32 s0, $0xA;
	s2 =	sadd.s32 s3, s2  }
0x8d: {  	s2 =	sadd.s32 s2, s16  }
0x8e: {  	[smem:$0x3FC0] =	sst s2  }
0x8f: {  	_ = 	snop  }
0x90: {  	(tm) =	ssettm $0x1  }
0x91: {  	s17 =	sld [smem:$0x3FFB];
	_ =	sdelay $0x3  }
0x92: {  	_ =	strace s17  }
0x93: {  	s2 =	sld [smem:$0x3FFC];
	_ =	sdelay $0x3  }
0x94: {  	_ =	strace s2  }
0x95: {  	s2 =	sld [smem:$0x3FFD];
	_ =	sdelay $0x3  }
0x96: {  	_ =	strace s2  }
0x97: {  	_ =	strace $0x8FFFFFFF  }
0x98: {  	s18 =	sld [smem:$0x3FDB];
	_ =	sdelay $0x1  }
0x99: {  	s19 =	simm.s32 $_scs_section_size  }
0x9a: {  	s4 =	simm.s32 $_size__tile_overlayer_lowered;
	s5 =	simm.s32 $_tile_overlayer_lowered  }
0x9b: {  	s22 =	simm.s32 $0x1BFF;
	s21 =	sshll.u32 s5, $0x1;
	s2 =	sadd.s32 s19, s18  }
0x9c: {  	s6 =	simm.s32 $0x0;
	s20 =	sshll.u32 s4, $0x1;
	s4 =	sadd.s32 s21, s2  }
0x9d: {  	[timem:s6], [sflag:s22] =	dma.local [hbm:s4], s20  }
0x9e: {  	_ =	swait.ge [sflag:s22], s20  }
0x9f: {  	s3 =	ssub.s32 $0x0, s20;
	[sflag:s22] =	ssyncset.done $0x0  }
0xa0: {  	[sflag:s22] =	ssyncadd.s32 s3;
	_ =	sdelay $0x1  }
0xa1: {  	s23 =	simm.s32 $0x1B8B  }
0xa2: {  	_ =	swait.ge [sflag:s23], $0x1  }
0xa3: {  	[sflag:s23] =	ssyncset.done $0x0  }
0xa4: {  	s25 =	simm.s32 $0x1B8E;
	s24 =	sld [smem:$0x3FFE];
	[sflag:s23] =	ssyncadd.s32 $0xFFFFFFFF  }
0xa5: {  	s26 =	simm.s32 $execute0_lowered;
	[smem:$0x3FD2] =	sst s25  }
0xa6: {  	s4 =	sshll.u32 s26, $0x1;
	_ =	strace $0x80000046;
	[dreg:$0x1] =	wrdreg $0xFFFFFFFF  }
0xa7: {  	s28 =	simm.s32 $_size_execute0_lowered;
	s2 =	sadd.s32 s2, s4;
	[dreg:$0x0] =	wrdreg $0x0  }
0xa8: {  	s4 =	sshll.u32 s28, $0x1;
	[dreg:$0x2] =	wrdreg s2  }
0xa9: {  	[dreg:$0x3] =	wrdreg s4  }
0xaa: {  	[dreg:$0x4] =	wrdreg $0xC0  }
0xab: {  	_ =	task [dreg:s6], $0x5FFFF  }
0xac: {  	[dreg:$0x1] =	wrdreg $0xFFFFFFFF  }
0xad: {  	[dreg:$0x0] =	wrdreg $0x60  }
0xae: {  	[dreg:$0x2] =	wrdreg s24  }
0xaf: {  	[dreg:$0x3] =	wrdreg $0x9  }
0xb0: {  	_ =	task.clear_ibuf [dreg:s6], $0x4FFFF;
	_ =	strace $0x90000046  }
0xb1: {  	s29 =	simm.s32 $0x9;
	_ =	strace $0x80000048  }
0xb2: {  	_ =	swait.ge [sflag:s29], $0x1  }
0xb3: {  	[sflag:s29] =	ssyncadd.s32 $0xFFFFFFFF  }
0xb4: {  	_ =	strace $0x90000048  }
0xb5: {  	_ =	sfence  }
0xb6: {  	s30 =	sld [smem:$0x0];
	_ =	sdelay $0x2  }
0xb7: {  	s31 =	sshll.u32 s1, $0xD;
	s1 =	sshrl.u32 s1, $0x2  }
0xb8: {  	s3 =	sand.u32 $0x4000, s31;
	s1 =	sadd.s32 s1, s30  }
0xb9: {  	s0 =	sor.u32 s3, s0;
	s1 =	sshll.u32 s1, $0x11  }
0xba: {  	s0 =	sor.u32 s1, s0  }
0xbb: {  	s0 =	sadd.s32 $0x8F2B, s0  }
0xbc: {  	[sflag:s0] =	ssyncadd.remote.s32 $0x1  }
0xbd: {  	_ =	sfence.sel $0xFFFF  }
0xbe: {  	[dreg:$0x0] =	wrdreg $0xFFFFFFFF;
	(pc) =	sbr.abs _section_cstart, $3  }
0xbf: {  	[dreg:$0x1] =	wrdreg $0xFFFFFFFF  }
0xc0: {  	_ =	task.clear_ibuf [dreg:s6], $0x2FFFF;
	_ =	strace $0x9FFFFFFF  }
0xc1: {  	(tm) =	ssettm $0x7FFFFFFF  }
tec
execute0_lowered:
.L_overlay_start_1:
0x0: {  	(tag) =	ssettag $0x1  }
0x1: {  	s0 =	srdreg.scid;
	s4 =	rddreg [dreg:$0x0]  }
0x2: {  	s9 =	simm.s32 $0x0;
	s3 =	sand.u32 $0x1, s0;
	s0 =	stileid.u32  }
0x3: {  	s1 =	sshll.u32 s3, $0x4;
	s5 =	smul.u32 $0x27100, s3;
	s7 =	sshll.u32 s0, $0x7  }
0x4: {  	s8 =	smul.u32 $0x2710, s0;
	s3 =	ssub.s32 $0x2, s3;
	s2 =	sor.u32 s0, s1  }
0x5: {  	s1 =	rddreg [dreg:$0x1];
	s7 =	sand.u32 $0x380, s7;
	s6 =	sshrl.u32 s2, $0x3  }
0x6: {  	s30 =	sshrl.u32 s3, $0x1;
	s2 =	simm.s32 $0x0;
	s6 =	smul.u32 $0x14000, s6  }
0x7: {  	s5 =	sadd.s32 s8, s5;
	s31 =	ssub.s32 s3, s30;
	s8 =	simm.s32 $0x400  }
0x8: {  	[smem:$0x7FF] =	sst s2;
	s5 =	sshrl.u32 s5, $0x3;
	s6 =	sor.u32 s7, s6  }
0x9: {  	_ =	strace $0x80000047;
	s5 =	sadd.s32 s5, s4;
	s6 =	sshrl.u32 s6, $0x3  }
0xa: {  	s5 =	sadd.s32 $0xCA00, s5;
	s7 =	simm.s32 $0x80;
	s6 =	sadd.s32 s6, s4  }
0xb: {  	v0 =	vimm.f32 $0.0e+00;
	v1 =	vimm.f32 $1.000000000e+00;
	s4 =	smax.u32 s31, $0x1;
	s3 =	sadd.s32 $0x16800, s6;
	s6 =	simm.s32 $0x1  }
.LBB2_1:
0xc: {  	s10 =	simm.s32 $0x0  }
.LBB2_2:
0xd: {  	p0 =	sne.s32 s10, $0x9FC0  }
.Ltmp0:
0xe: {  	_ = 	snop;
	(pc) =	sbr.rel @p0 .LBB2_2-.Ltmp0, $3  }
0xf: {  	_ =	sdelay $0x1  }
0x10: {  	s11 =	sshra.s32 s10, $0x2  }
0x11: {  	s10 =	sadd.s32 $0x40, s10;
	[tilespmem:s11+$0x80] =	vst v0  }
0x12: {  	s10 =	simm.s32 $0x0  }
.LBB2_4:
0x13: {  	s11 =	sadd.s32 s10, s5  }
0x14: {  	[tilespmem:s2], [sflag:$0x1] =	stream.linear.gather [hbm4b:s11+s2], $0x50, $0x38;
	[tilespmem:$0x2880] =	vst v63  }
0x15: {  	_ =	swait.ge [sflag:s6], $0x50  }
0x16: {  	[sflag:s6] =	ssyncset.done $0x0  }
0x17: {  	[sflag:s6] =	ssyncadd.s32 $0xFFFFFFB0  }
0x18: {  	v2 =	vld [tilespmem:$0x0];
	_ =	sdelay $0x7  }
0x19: {  	[tilespmem:v2+s7+$0x0] =	vst.idx.add.f32.msk $0xffff, v1  }
0x1a: {  	v2 =	vld [tilespmem:$0x10];
	_ =	sdelay $0x7  }
0x1b: {  	[tilespmem:v2+s7+$0x0] =	vst.idx.add.f32.msk $0xffff, v1  }
0x1c: {  	v2 =	vld [tilespmem:$0x20];
	_ =	sdelay $0x7  }
0x1d: {  	[tilespmem:v2+s7+$0x0] =	vst.idx.add.f32.msk $0xffff, v1  }
0x1e: {  	v2 =	vld [tilespmem:$0x30];
	_ =	sdelay $0x7  }
0x1f: {  	[tilespmem:v2+s7+$0x0] =	vst.idx.add.f32.msk $0xffff, v1  }
0x20: {  	v2 =	vld [tilespmem:$0x40];
	_ =	sdelay $0x2  }
0x21: {  	p0 =	sne.s32 s10, $0x4D8  }
.Ltmp1:
0x22: {  	_ = 	snop;
	(pc) =	sbr.rel @p0 .LBB2_4-.Ltmp1, $2  }
0x23: {  	_ =	sdelay $0x2  }
0x24: {  	s10 =	sadd.s32 $0xA, s10;
	[tilespmem:v2+s7+$0x0] =	vst.idx.add.f32.msk $0xffff, v1  }
0x25: {  	s9 =	sadd.s32 $0x1, s9  }
0x26: {  	p0 =	sne.s32 s9, s4  }
.Ltmp2:
0x27: {  	_ = 	snop;
	(pc) =	sbr.rel @p0 .LBB2_1-.Ltmp2, $4  }
0x28: {  	[hbm4b:s3+s7] =	stream.strided.scatter [tilespmem:s7], [sflag:$0x1], $0x2800, s8, s7, $0x38;
	[tilespmem:$0x2880] =	vst v63  }
0x29: {  	_ =	swait.ge [sflag:s6], $0x2800  }
0x2a: {  	[sflag:s6] =	ssyncset.done $0x0  }
0x2b: {  	[sflag:s6] =	ssyncadd.s32 $0xFFFFD800  }
0x2c: {  	_ =	sfence.sel $0x180000  }
0x2d: {  	[bflag:$0x0] =	sbarrier.arrive $0xFFFF  }
0x2e: {  	p0 =	sne.s32 s0, $0x0;
	_ =	strace $0x90000047  }
0x2f: {  	s0 =	sadd.s32 @!p0 $0x100000, s1;
	[bflag:$0x2] =	sbarrier.arrive $0xFFFF  }
0x30: {  	[sflag:s0] =	ssyncadd.tile.s32 @!p0 $0x1;
	_ =	shalt  }
.Lfunc_end2:
_tile_overlayer_lowered:
.L_overlay_start_2:
0x31: {  	(tag) =	ssettag $0x2  }
0x32: {  	s0 =	rddreg [dreg:$0x0];
	s2 =	stileid.u32  }
0x33: {  	s1 =	rddreg [dreg:$0x1];
	p0 =	sne.s32 s2, $0x0  }
0x34: {  	s3 =	rddreg [dreg:$0x2];
	[bflag:$0x3] =	sbarrier.arrive $0xFFFF;
	s2 =	simm.s32 @!p0 $0x1C01  }
0x35: {  	[timem:s3], [sflag:s2] =	dma.local @!p0 [hbm:s0], s1  }
0x36: {  	s0 =	simm.s32 @!p0 $0x1  }
0x37: {  	_ =	swait.ge @!p0 [sflag:s0], s1  }
0x38: {  	s1 =	ssub.s32 @!p0 $0x0, s1;
	[sflag:s0] =	ssyncset.done @!p0 $0x0  }
0x39: {  	[sflag:s0] =	ssyncadd.s32 @!p0 s1  }
0x3a: {  	[bflag:$0x3] =	sbarrier.arrive $0xFFFF  }
0x3b: {  	_ =	shalt  }

</sc_bundles>
